<compile_context>
chip_gen: v7x
topology: tpu7x:2x2x1
jax: 0.10.2.dev20260603
libtpu: 0.0.44.dev20260713+nightly
codegen_flags: <defaults>
</compile_context>

<pallas_src>
import functools

import jax
import jax.numpy as jnp
from jax import lax
from jax.experimental import pallas as pl
from jax.experimental.pallas import tpu as pltpu
from jax.experimental.pallas import tpu_sc as plsc

_NUM_CORES = 2
_NUM_SUBCORES = 16
_NW = _NUM_CORES * _NUM_SUBCORES
_CHUNK = 96


@functools.partial(jax.jit, static_argnums=(3, 4, 5))
def _scatter_partials(X, a3, b3, N_pad, D, n_chunks):
    rows_per_tile = N_pad // _NUM_SUBCORES
    n_zfull = rows_per_tile // _CHUNK
    zrem = rows_per_tile - n_zfull * _CHUNK
    mesh = plsc.VectorSubcoreMesh(core_axis_name="c", subcore_axis_name="s")

    @functools.partial(
        pl.kernel,
        out_type=jax.ShapeDtypeStruct((_NUM_CORES, N_pad, D), jnp.float32),
        mesh=mesh,
        scratch_types=[
            pltpu.VMEM((n_chunks // 3, _CHUNK), jnp.int32),
            pltpu.VMEM((n_chunks // 3, _CHUNK), jnp.int32),
            pltpu.VMEM((_CHUNK, D), jnp.float32),
            pltpu.VMEM((_CHUNK, D), jnp.float32),
            pltpu.VMEM((_CHUNK, D), jnp.float32),
            pltpu.VMEM_SHARED((N_pad, D), jnp.float32),
            pltpu.SemaphoreType.DMA,
            pltpu.SemaphoreType.DMA,
            pltpu.SemaphoreType.DMA,
        ],
    )
    def sc_kernel(x_hbm, a_hbm, b_hbm, out_hbm, idx_a, idx_b, rows0, rows1,
                  rows2, acc, sem_i, sem_g, sem_s):
        c = lax.axis_index("c")
        s = lax.axis_index("s")
        wid = s * _NUM_CORES + c
        rows = (rows0, rows1, rows2)
        nch_t = n_chunks // 3

        d_ia = pltpu.async_copy(a_hbm.at[wid, 0], idx_a, sem_i)
        d_ib = pltpu.async_copy(b_hbm.at[wid, 0], idx_b, sem_i)

        zero = jnp.zeros((16,), jnp.float32)

        def zero_row(r, _):
            for j in range(D // 16):
                rows2[r, pl.ds(j * 16, 16)] = zero
            return 0

        lax.fori_loop(0, _CHUNK, zero_row, 0)

        d_ia.wait()
        d_ib.wait()
        pltpu.async_copy(x_hbm.at[idx_a.at[0]], rows0, sem_g)
        pltpu.async_copy(x_hbm.at[idx_a.at[1]], rows1, sem_g)

        base = s * rows_per_tile
        for k in range(n_zfull):
            pltpu.sync_copy(rows2, acc.at[pl.ds(base + k * _CHUNK, _CHUNK)])
        if zrem:
            pltpu.sync_copy(rows2.at[pl.ds(0, zrem)],
                            acc.at[pl.ds(base + n_zfull * _CHUNK, zrem)])

        plsc.subcore_barrier()

        def wait_gather(buf):
            pltpu.make_async_copy(x_hbm.at[idx_a.at[0]], buf, sem_g).wait()

        def wait_scatter():
            pltpu.make_async_copy(rows0, acc.at[idx_b.at[0]], sem_s).wait()

        def make_triple(first_third):
            def triple_body(t, _):
                for q in range(3):
                    j = 3 * t + q
                    wait_gather(rows[q])
                    pltpu.async_copy(rows[q], acc.at[idx_b.at[j]], sem_s,
                                     add=True)
                    if first_third and q == 0:
                        @pl.when(t > 0)
                        def _():
                            wait_scatter()
                    else:
                        wait_scatter()

                    @pl.when(j + 2 < nch_t)
                    def _():
                        pltpu.async_copy(x_hbm.at[idx_a.at[j + 2]],
                                         rows[(q + 2) % 3], sem_g)
                return 0
            return triple_body

        for h in range(3):
            if h > 0:
                pltpu.sync_copy(a_hbm.at[wid, h], idx_a)
                pltpu.sync_copy(b_hbm.at[wid, h], idx_b)
                pltpu.async_copy(x_hbm.at[idx_a.at[0]], rows0, sem_g)
                pltpu.async_copy(x_hbm.at[idx_a.at[1]], rows1, sem_g)
            lax.fori_loop(0, nch_t // 3, make_triple(h == 0), 0)

        wait_scatter()

        plsc.subcore_barrier()

        pltpu.sync_copy(
            acc.at[pl.ds(base, rows_per_tile)],
            out_hbm.at[c, pl.ds(base, rows_per_tile)],
        )

    return sc_kernel(X, a3, b3)


def _mlp(partials, N, W_hidden, W_out, b_hidden, b_out):
    _, N_pad, D = partials.shape
    U = W_out.shape[1]
    blk = 5000

    def tc_kernel(p_ref, wh_ref, wo_ref, bh_ref, bo_ref, o_ref):
        agg = p_ref[0] + p_ref[1]
        hid = jnp.dot(agg, wh_ref[...], preferred_element_type=jnp.float32)
        hid = hid + bh_ref[...]
        out = jnp.dot(hid, wo_ref[...], preferred_element_type=jnp.float32)
        o_ref[...] = out + bo_ref[...]

    return pl.pallas_call(
        tc_kernel,
        grid=(N // blk,),
        in_specs=[
            pl.BlockSpec((2, blk, D), lambda i: (0, i, 0)),
            pl.BlockSpec((D, W_hidden.shape[1]), lambda i: (0, 0)),
            pl.BlockSpec((W_out.shape[0], U), lambda i: (0, 0)),
            pl.BlockSpec((1, W_hidden.shape[1]), lambda i: (0, 0)),
            pl.BlockSpec((1, U), lambda i: (0, 0)),
        ],
        out_specs=pl.BlockSpec((blk, U), lambda i: (i, 0)),
        out_shape=jax.ShapeDtypeStruct((N, U), jnp.float32),
    )(partials, W_hidden, W_out, b_hidden.reshape(1, -1), b_out.reshape(1, -1))


def kernel(X, ref_a, ref_b, W_hidden, W_out, b_hidden, b_out):
    N, D = X.shape
    E = ref_a.shape[0]
    unit = _NW * _CHUNK * 9
    E_pad = -(-E // unit) * unit
    e_per_w = E_pad // _NW
    n_chunks = e_per_w // _CHUNK
    n_pad = -(-(N + 1) // (_NUM_SUBCORES * 8)) * (_NUM_SUBCORES * 8)
    a_i = ref_a.astype(jnp.int32)
    b_i = ref_b.astype(jnp.int32)
    if E_pad != E:
        pad = E_pad - E
        pad_ids = jnp.arange(pad, dtype=jnp.int32)
        a_i = jnp.concatenate([a_i, pad_ids % N])
        b_i = jnp.concatenate([b_i, N + pad_ids % (n_pad - N)])
    a4 = a_i.reshape(_NW, 3, n_chunks // 3, _CHUNK)
    b4 = b_i.reshape(_NW, 3, n_chunks // 3, _CHUNK)
    partials = _scatter_partials(X, a4, b4, n_pad, D, n_chunks)
    return _mlp(partials, N, W_hidden, W_out, b_hidden, b_out)

# --- scband reference (transcript-rebuilt; emitter-appended) ---
"""Pipeline reference for scband-ginlayer-79362405696145 (READ-ONLY COPY).

The authoritative reference and input builder live on the scoring server;
editing this copy changes nothing except your own understanding.
"""

import jax, jax.numpy as jnp
import numpy as np

N_NODES = 10000
N_EDGES = 320000
D_FEAT = 128
UNITS = 128

def setup_inputs(seed: int = 0) -> dict:
    key = jax.random.key(seed)
    k_x, k_a, k_b, k_wh, k_wo = jax.random.split(key, 5)
    X = jax.random.normal(k_x, (N_NODES, D_FEAT), dtype=jnp.float32)
    ref_a = jax.random.randint(k_a, (N_EDGES,), 0, N_NODES, dtype=jnp.int64 if jax.config.jax_enable_x64 else jnp.int32)
    ref_b = jax.random.randint(k_b, (N_EDGES,), 0, N_NODES, dtype=jnp.int64 if jax.config.jax_enable_x64 else jnp.int32)
    # GlorotUniform init for weights
    limit_h = float(np.sqrt(6.0 / (D_FEAT + UNITS)))
    W_hidden = jax.random.uniform(k_wh, (D_FEAT, UNITS), minval=-limit_h, maxval=limit_h, dtype=jnp.float32)
    limit_o = float(np.sqrt(6.0 / (UNITS + UNITS)))
    W_out = jax.random.uniform(k_wo, (UNITS, UNITS), minval=-limit_o, maxval=limit_o, dtype=jnp.float32)
    b_hidden = jnp.zeros((UNITS,), dtype=jnp.float32)
    b_out = jnp.zeros((UNITS,), dtype=jnp.float32)
    return {"X": X, "ref_a": ref_a, "ref_b": ref_b, "W_hidden": W_hidden, "W_out": W_out, "b_hidden": b_hidden, "b_out": b_out}

def reference(X, ref_a, ref_b, W_hidden, W_out, b_hidden, b_out):
    # wl1_convolution: gather neighbor features by ref_a, scatter-add into ref_b slots
    X_a = jnp.take(X, ref_a, axis=0)                      # gather
    X_agg = jnp.zeros_like(X).at[ref_b].add(X_a)          # scatter_nd with duplicate summation
    X_hid = jnp.matmul(X_agg, W_hidden) + b_hidden
    X_out = jnp.matmul(X_hid, W_out) + b_out
    # activation=None -> linear (identity)
    return X_out

if __name__ == "__main__":
    import jax
    _d = setup_inputs()
    print(jax.jit(kernel)(*tuple(_d.values())))

</pallas_src>

<mosaic_0001>
#map = affine_map<(d0, d1) -> (0, 0)>
#map1 = affine_map<(d0, d1) -> (0, 0, 0, 0)>
#map2 = affine_map<(d0, d1) -> (0, 0, 0)>
module attributes {stable_mosaic.version = 14 : i64} {
  func.func @sc_kernel(%arg0: i32, %arg1: i32, %arg2: memref<10000x128xf32, #tpu.memory_space<hbm>>, %arg3: memref<32x3x36x96xi32, #tpu.memory_space<hbm>>, %arg4: memref<32x3x36x96xi32, #tpu.memory_space<hbm>>, %arg5: memref<2x10112x128xf32, #tpu.memory_space<hbm>>, %arg6: memref<36x96xi32, #tpu.memory_space<vmem>>, %arg7: memref<36x96xi32, #tpu.memory_space<vmem>>, %arg8: memref<96x128xf32, #tpu.memory_space<vmem>>, %arg9: memref<96x128xf32, #tpu.memory_space<vmem>>, %arg10: memref<96x128xf32, #tpu.memory_space<vmem>>, %arg11: memref<10112x128xf32, #tpu.memory_space<vmem_shared>>, %arg12: memref<!tpu.dma_semaphore, #tpu.memory_space<semaphore_mem>>, %arg13: memref<!tpu.dma_semaphore, #tpu.memory_space<semaphore_mem>>, %arg14: memref<!tpu.dma_semaphore, #tpu.memory_space<semaphore_mem>>) attributes {dimension_semantics = [#tpu.dimension_semantics<core_parallel>, #tpu.dimension_semantics<subcore_parallel>], iteration_bounds = array<i64: 2, 16>, scalar_prefetch = 0 : i64, scratch_operands = 9 : i64, tpu.core_type = #tpu.core_type<sc_vector_subcore>, window_params = [{transform_indices = #map}, {transform_indices = #map1}, {transform_indices = #map1}, {transform_indices = #map2}]} {
    %mul3A = arith.constant 2 : i32
    %mul3A_0 = arith.muli %arg1, %mul3A : i32
    %add3A = arith.addi %mul3A_0, %arg0 : i32
    %dma_start3A = arith.constant 0 : i32
    %dma_start3A_1 = arith.constant 0 : i32
    %dma_start3A_2 = arith.constant 0 : i32
    %dma_start3A_3 = tpu.memref_slice %arg3[%add3A, %dma_start3A, %dma_start3A_1, %dma_start3A_2] : memref<32x3x36x96xi32, #tpu.memory_space<hbm>> -> memref<1x1x36x96xi32, #tpu.memory_space<hbm>>
    %dma_start3A_4 = tpu.memref_squeeze %dma_start3A_3 : memref<1x1x36x96xi32, #tpu.memory_space<hbm>> -> memref<36x96xi32, #tpu.memory_space<hbm>>
    %dma_start3A_5 = arith.constant 0 : i32
    %dma_start3A_6 = arith.constant 0 : i32
    %dma_start3A_7 = tpu.memref_slice %arg3[%add3A, %dma_start3A, %dma_start3A_5, %dma_start3A_6] : memref<32x3x36x96xi32, #tpu.memory_space<hbm>> -> memref<1x1x36x96xi32, #tpu.memory_space<hbm>>
    %dma_start3A_8 = tpu.memref_squeeze %dma_start3A_7 : memref<1x1x36x96xi32, #tpu.memory_space<hbm>> -> memref<36x96xi32, #tpu.memory_space<hbm>>
    tpu.enqueue_dma source(%dma_start3A_8 : memref<36x96xi32, #tpu.memory_space<hbm>>) target(%arg6 : memref<36x96xi32, #tpu.memory_space<vmem>>) target_semaphore(%arg12 : memref<!tpu.dma_semaphore, #tpu.memory_space<semaphore_mem>>)
    %dma_start3A_9 = arith.constant 0 : i32
    %dma_start3A_10 = arith.constant 0 : i32
    %dma_start3A_11 = arith.constant 0 : i32
    %dma_start3A_12 = tpu.memref_slice %arg4[%add3A, %dma_start3A_9, %dma_start3A_10, %dma_start3A_11] : memref<32x3x36x96xi32, #tpu.memory_space<hbm>> -> memref<1x1x36x96xi32, #tpu.memory_space<hbm>>
    %dma_start3A_13 = tpu.memref_squeeze %dma_start3A_12 : memref<1x1x36x96xi32, #tpu.memory_space<hbm>> -> memref<36x96xi32, #tpu.memory_space<hbm>>
    %dma_start3A_14 = arith.constant 0 : i32
    %dma_start3A_15 = arith.constant 0 : i32
    %dma_start3A_16 = tpu.memref_slice %arg4[%add3A, %dma_start3A_9, %dma_start3A_14, %dma_start3A_15] : memref<32x3x36x96xi32, #tpu.memory_space<hbm>> -> memref<1x1x36x96xi32, #tpu.memory_space<hbm>>
    %dma_start3A_17 = tpu.memref_squeeze %dma_start3A_16 : memref<1x1x36x96xi32, #tpu.memory_space<hbm>> -> memref<36x96xi32, #tpu.memory_space<hbm>>
    tpu.enqueue_dma source(%dma_start3A_17 : memref<36x96xi32, #tpu.memory_space<hbm>>) target(%arg7 : memref<36x96xi32, #tpu.memory_space<vmem>>) target_semaphore(%arg12 : memref<!tpu.dma_semaphore, #tpu.memory_space<semaphore_mem>>)
    %broadcast_in_dim3A = arith.constant 0.000000e+00 : f32
    %broadcast_in_dim3A_18 = vector.broadcast %broadcast_in_dim3A : f32 to vector<16xf32>
    %scan3A = arith.constant 0 : i32
    %scan3A_19 = arith.constant 0 : i32
    %scan3A_20 = arith.constant 96 : i32
    %scan3A_21 = arith.addi %scan3A_19, %scan3A_20 : i32
    %scan3A_22 = arith.constant 1 : i32
    %scan3A_23 = scf.for %scan3A_132 = %scan3A_19 to %scan3A_21 step %scan3A_22 iter_args(%scan3A_133 = %scan3A) -> (i32)  : i32 {
      %swap3A = arith.index_cast %scan3A_132 : i32 to index
      %swap3A_134 = arith.constant 0 : index
      %swap3A_135 = tpu.vector_load %arg10[%swap3A, %swap3A_134] {strides = array<i32>} : memref<96x128xf32, #tpu.memory_space<vmem>>, vector<1x16xf32>,
      %swap3A_136 = vector.shape_cast %swap3A_135 : vector<1x16xf32> to vector<16xf32>
      %swap3A_137 = vector.shape_cast %broadcast_in_dim3A_18 : vector<16xf32> to vector<1x16xf32>
      tpu.vector_store %arg10[%swap3A, %swap3A_134], %swap3A_137 {strides = array<i32>} : memref<96x128xf32, #tpu.memory_space<vmem>>, vector<1x16xf32>,
      %swap3A_138 = arith.index_cast %scan3A_132 : i32 to index
      %swap3A_139 = arith.constant 16 : index
      %swap3A_140 = tpu.vector_load %arg10[%swap3A_138, %swap3A_139] {strides = array<i32>} : memref<96x128xf32, #tpu.memory_space<vmem>>, vector<1x16xf32>,
      %swap3A_141 = vector.shape_cast %swap3A_140 : vector<1x16xf32> to vector<16xf32>
      %swap3A_142 = vector.shape_cast %broadcast_in_dim3A_18 : vector<16xf32> to vector<1x16xf32>
      tpu.vector_store %arg10[%swap3A_138, %swap3A_139], %swap3A_142 {strides = array<i32>} : memref<96x128xf32, #tpu.memory_space<vmem>>, vector<1x16xf32>,
      %swap3A_143 = arith.index_cast %scan3A_132 : i32 to index
      %swap3A_144 = arith.constant 32 : index
      %swap3A_145 = tpu.vector_load %arg10[%swap3A_143, %swap3A_144] {strides = array<i32>} : memref<96x128xf32, #tpu.memory_space<vmem>>, vector<1x16xf32>,
      %swap3A_146 = vector.shape_cast %swap3A_145 : vector<1x16xf32> to vector<16xf32>
      %swap3A_147 = vector.shape_cast %broadcast_in_dim3A_18 : vector<16xf32> to vector<1x16xf32>
      tpu.vector_store %arg10[%swap3A_143, %swap3A_144], %swap3A_147 {strides = array<i32>} : memref<96x128xf32, #tpu.memory_space<vmem>>, vector<1x16xf32>,
      %swap3A_148 = arith.index_cast %scan3A_132 : i32 to index
      %swap3A_149 = arith.constant 48 : index
      %swap3A_150 = tpu.vector_load %arg10[%swap3A_148, %swap3A_149] {strides = array<i32>} : memref<96x128xf32, #tpu.memory_space<vmem>>, vector<1x16xf32>,
      %swap3A_151 = vector.shape_cast %swap3A_150 : vector<1x16xf32> to vector<16xf32>
      %swap3A_152 = vector.shape_cast %broadcast_in_dim3A_18 : vector<16xf32> to vector<1x16xf32>
      tpu.vector_store %arg10[%swap3A_148, %swap3A_149], %swap3A_152 {strides = array<i32>} : memref<96x128xf32, #tpu.memory_space<vmem>>, vector<1x16xf32>,
      %swap3A_153 = arith.index_cast %scan3A_132 : i32 to index
      %swap3A_154 = arith.constant 64 : index
      %swap3A_155 = tpu.vector_load %arg10[%swap3A_153, %swap3A_154] {strides = array<i32>} : memref<96x128xf32, #tpu.memory_space<vmem>>, vector<1x16xf32>,
      %swap3A_156 = vector.shape_cast %swap3A_155 : vector<1x16xf32> to vector<16xf32>
      %swap3A_157 = vector.shape_cast %broadcast_in_dim3A_18 : vector<16xf32> to vector<1x16xf32>
      tpu.vector_store %arg10[%swap3A_153, %swap3A_154], %swap3A_157 {strides = array<i32>} : memref<96x128xf32, #tpu.memory_space<vmem>>, vector<1x16xf32>,
      %swap3A_158 = arith.index_cast %scan3A_132 : i32 to index
      %swap3A_159 = arith.constant 80 : index
      %swap3A_160 = tpu.vector_load %arg10[%swap3A_158, %swap3A_159] {strides = array<i32>} : memref<96x128xf32, #tpu.memory_space<vmem>>, vector<1x16xf32>,
      %swap3A_161 = vector.shape_cast %swap3A_160 : vector<1x16xf32> to vector<16xf32>
      %swap3A_162 = vector.shape_cast %broadcast_in_dim3A_18 : vector<16xf32> to vector<1x16xf32>
      tpu.vector_store %arg10[%swap3A_158, %swap3A_159], %swap3A_162 {strides = array<i32>} : memref<96x128xf32, #tpu.memory_space<vmem>>, vector<1x16xf32>,
      %swap3A_163 = arith.index_cast %scan3A_132 : i32 to index
      %swap3A_164 = arith.constant 96 : index
      %swap3A_165 = tpu.vector_load %arg10[%swap3A_163, %swap3A_164] {strides = array<i32>} : memref<96x128xf32, #tpu.memory_space<vmem>>, vector<1x16xf32>,
      %swap3A_166 = vector.shape_cast %swap3A_165 : vector<1x16xf32> to vector<16xf32>
      %swap3A_167 = vector.shape_cast %broadcast_in_dim3A_18 : vector<16xf32> to vector<1x16xf32>
      tpu.vector_store %arg10[%swap3A_163, %swap3A_164], %swap3A_167 {strides = array<i32>} : memref<96x128xf32, #tpu.memory_space<vmem>>, vector<1x16xf32>,
      %swap3A_168 = arith.index_cast %scan3A_132 : i32 to index
      %swap3A_169 = arith.constant 112 : index
      %swap3A_170 = tpu.vector_load %arg10[%swap3A_168, %swap3A_169] {strides = array<i32>} : memref<96x128xf32, #tpu.memory_space<vmem>>, vector<1x16xf32>,
      %swap3A_171 = vector.shape_cast %swap3A_170 : vector<1x16xf32> to vector<16xf32>
      %swap3A_172 = vector.shape_cast %broadcast_in_dim3A_18 : vector<16xf32> to vector<1x16xf32>
      tpu.vector_store %arg10[%swap3A_168, %swap3A_169], %swap3A_172 {strides = array<i32>} : memref<96x128xf32, #tpu.memory_space<vmem>>, vector<1x16xf32>,
      %scan3A_173 = arith.constant 0 : i32
      scf.yield %scan3A_173 : i32
    }
    %scan3A_24 = arith.constant 96 : i32
    %dma_wait3A = arith.constant 0 : i32
    %dma_wait3A_25 = arith.constant 0 : i32
    %dma_wait3A_26 = arith.constant 0 : i32
    %dma_wait3A_27 = tpu.memref_slice %arg3[%add3A, %dma_wait3A, %dma_wait3A_25, %dma_wait3A_26] : memref<32x3x36x96xi32, #tpu.memory_space<hbm>> -> memref<1x1x36x96xi32, #tpu.memory_space<hbm>>
    %dma_wait3A_28 = tpu.memref_squeeze %dma_wait3A_27 : memref<1x1x36x96xi32, #tpu.memory_space<hbm>> -> memref<36x96xi32, #tpu.memory_space<hbm>>
    %dma_wait3A_29 = arith.constant 0 : i32
    %dma_wait3A_30 = arith.constant 0 : i32
    %dma_wait3A_31 = tpu.memref_slice %arg3[%add3A, %dma_wait3A, %dma_wait3A_29, %dma_wait3A_30] : memref<32x3x36x96xi32, #tpu.memory_space<hbm>> -> memref<1x1x36x96xi32, #tpu.memory_space<hbm>>
    %dma_wait3A_32 = tpu.memref_squeeze %dma_wait3A_31 : memref<1x1x36x96xi32, #tpu.memory_space<hbm>> -> memref<36x96xi32, #tpu.memory_space<hbm>>
    tpu.wait_dma2 semaphore(%arg12 : memref<!tpu.dma_semaphore, #tpu.memory_space<semaphore_mem>>) src(%dma_wait3A_32 : memref<36x96xi32, #tpu.memory_space<hbm>>) dst(%arg6 : memref<36x96xi32, #tpu.memory_space<vmem>>)
    %dma_wait3A_33 = arith.constant 0 : i32
    %dma_wait3A_34 = arith.constant 0 : i32
    %dma_wait3A_35 = arith.constant 0 : i32
    %dma_wait3A_36 = tpu.memref_slice %arg4[%add3A, %dma_wait3A_33, %dma_wait3A_34, %dma_wait3A_35] : memref<32x3x36x96xi32, #tpu.memory_space<hbm>> -> memref<1x1x36x96xi32, #tpu.memory_space<hbm>>
    %dma_wait3A_37 = tpu.memref_squeeze %dma_wait3A_36 : memref<1x1x36x96xi32, #tpu.memory_space<hbm>> -> memref<36x96xi32, #tpu.memory_space<hbm>>
    %dma_wait3A_38 = arith.constant 0 : i32
    %dma_wait3A_39 = arith.constant 0 : i32
    %dma_wait3A_40 = tpu.memref_slice %arg4[%add3A, %dma_wait3A_33, %dma_wait3A_38, %dma_wait3A_39] : memref<32x3x36x96xi32, #tpu.memory_space<hbm>> -> memref<1x1x36x96xi32, #tpu.memory_space<hbm>>
    %dma_wait3A_41 = tpu.memref_squeeze %dma_wait3A_40 : memref<1x1x36x96xi32, #tpu.memory_space<hbm>> -> memref<36x96xi32, #tpu.memory_space<hbm>>
    tpu.wait_dma2 semaphore(%arg12 : memref<!tpu.dma_semaphore, #tpu.memory_space<semaphore_mem>>) src(%dma_wait3A_41 : memref<36x96xi32, #tpu.memory_space<hbm>>) dst(%arg7 : memref<36x96xi32, #tpu.memory_space<vmem>>)
    %dma_start3A_42 = arith.constant 0 : i32
    %dma_start3A_43 = arith.constant 0 : i32
    %dma_start3A_44 = tpu.memref_slice %arg6[%dma_start3A_42, %dma_start3A_43] : memref<36x96xi32, #tpu.memory_space<vmem>> -> memref<1x96xi32, #tpu.memory_space<vmem>>
    %dma_start3A_45 = tpu.memref_squeeze %dma_start3A_44 : memref<1x96xi32, #tpu.memory_space<vmem>> -> memref<96xi32, #tpu.memory_space<vmem>>
    %dma_start3A_46 = arith.constant 0 : i32
    %dma_start3A_47 = arith.constant 0 : i32
    %dma_start3A_48 = tpu.memref_slice %arg2[%dma_start3A_46, %dma_start3A_47] : memref<10000x128xf32, #tpu.memory_space<hbm>> -> memref<10000x128xf32, #tpu.memory_space<hbm>>
    tpu.enqueue_indirect_dma source(%dma_start3A_48 : memref<10000x128xf32, #tpu.memory_space<hbm>>) target(%arg8 : memref<96x128xf32, #tpu.memory_space<vmem>>) offsets(%dma_start3A_45 : memref<96xi32, #tpu.memory_space<vmem>>) semaphore(%arg13 : memref<!tpu.dma_semaphore, #tpu.memory_space<semaphore_mem>>)
    %dma_start3A_49 = arith.constant 1 : i32
    %dma_start3A_50 = arith.constant 0 : i32
    %dma_start3A_51 = tpu.memref_slice %arg6[%dma_start3A_49, %dma_start3A_50] : memref<36x96xi32, #tpu.memory_space<vmem>> -> memref<1x96xi32, #tpu.memory_space<vmem>>
    %dma_start3A_52 = tpu.memref_squeeze %dma_start3A_51 : memref<1x96xi32, #tpu.memory_space<vmem>> -> memref<96xi32, #tpu.memory_space<vmem>>
    %dma_start3A_53 = arith.constant 0 : i32
    %dma_start3A_54 = arith.constant 0 : i32
    %dma_start3A_55 = tpu.memref_slice %arg2[%dma_start3A_53, %dma_start3A_54] : memref<10000x128xf32, #tpu.memory_space<hbm>> -> memref<10000x128xf32, #tpu.memory_space<hbm>>
    tpu.enqueue_indirect_dma source(%dma_start3A_55 : memref<10000x128xf32, #tpu.memory_space<hbm>>) target(%arg9 : memref<96x128xf32, #tpu.memory_space<vmem>>) offsets(%dma_start3A_52 : memref<96xi32, #tpu.memory_space<vmem>>) semaphore(%arg13 : memref<!tpu.dma_semaphore, #tpu.memory_space<semaphore_mem>>)
    %mul3A_56 = arith.constant 632 : i32
    %mul3A_57 = arith.muli %arg1, %mul3A_56 : i32
    %add3A_58 = arith.constant 0 : i32
    %add3A_59 = arith.addi %mul3A_57, %add3A_58 : i32
    "tpu.region"() ({
      %run_scoped3A_132 = tpu.sem_alloc : memref<!tpu.dma_semaphore, #tpu.memory_space<semaphore_mem>>
      %dma_start3A_133 = arith.constant 0 : i32
      %dma_start3A_134 = tpu.memref_slice %arg11[%add3A_59, %dma_start3A_133] : memref<10112x128xf32, #tpu.memory_space<vmem_shared>> -> memref<96x128xf32, #tpu.memory_space<vmem_shared>>
      %dma_start3A_135 = arith.constant 0 : i32
      %dma_start3A_136 = tpu.memref_slice %arg11[%add3A_59, %dma_start3A_135] : memref<10112x128xf32, #tpu.memory_space<vmem_shared>> -> memref<96x128xf32, #tpu.memory_space<vmem_shared>>
      tpu.enqueue_dma source(%arg10 : memref<96x128xf32, #tpu.memory_space<vmem>>) target(%dma_start3A_136 : memref<96x128xf32, #tpu.memory_space<vmem_shared>>) target_semaphore(%run_scoped3A_132 : memref<!tpu.dma_semaphore, #tpu.memory_space<semaphore_mem>>)
      %dma_wait3A_137 = arith.constant 0 : i32
      %dma_wait3A_138 = tpu.memref_slice %arg11[%add3A_59, %dma_wait3A_137] : memref<10112x128xf32, #tpu.memory_space<vmem_shared>> -> memref<96x128xf32, #tpu.memory_space<vmem_shared>>
      %dma_wait3A_139 = arith.constant 0 : i32
      %dma_wait3A_140 = tpu.memref_slice %arg11[%add3A_59, %dma_wait3A_139] : memref<10112x128xf32, #tpu.memory_space<vmem_shared>> -> memref<96x128xf32, #tpu.memory_space<vmem_shared>>
      tpu.wait_dma2 semaphore(%run_scoped3A_132 : memref<!tpu.dma_semaphore, #tpu.memory_space<semaphore_mem>>) src(%arg10 : memref<96x128xf32, #tpu.memory_space<vmem>>) dst(%dma_wait3A_140 : memref<96x128xf32, #tpu.memory_space<vmem_shared>>)
      tpu.yield
    }) : () -> ()
    %add3A_60 = arith.constant 96 : i32
    %add3A_61 = arith.addi %mul3A_57, %add3A_60 : i32
    "tpu.region"() ({
      %run_scoped3A_132 = tpu.sem_alloc : memref<!tpu.dma_semaphore, #tpu.memory_space<semaphore_mem>>
      %dma_start3A_133 = arith.constant 0 : i32
      %dma_start3A_134 = tpu.memref_slice %arg11[%add3A_61, %dma_start3A_133] : memref<10112x128xf32, #tpu.memory_space<vmem_shared>> -> memref<96x128xf32, #tpu.memory_space<vmem_shared>>
      %dma_start3A_135 = arith.constant 0 : i32
      %dma_start3A_136 = tpu.memref_slice %arg11[%add3A_61, %dma_start3A_135] : memref<10112x128xf32, #tpu.memory_space<vmem_shared>> -> memref<96x128xf32, #tpu.memory_space<vmem_shared>>
      tpu.enqueue_dma source(%arg10 : memref<96x128xf32, #tpu.memory_space<vmem>>) target(%dma_start3A_136 : memref<96x128xf32, #tpu.memory_space<vmem_shared>>) target_semaphore(%run_scoped3A_132 : memref<!tpu.dma_semaphore, #tpu.memory_space<semaphore_mem>>)
      %dma_wait3A_137 = arith.constant 0 : i32
      %dma_wait3A_138 = tpu.memref_slice %arg11[%add3A_61, %dma_wait3A_137] : memref<10112x128xf32, #tpu.memory_space<vmem_shared>> -> memref<96x128xf32, #tpu.memory_space<vmem_shared>>
      %dma_wait3A_139 = arith.constant 0 : i32
      %dma_wait3A_140 = tpu.memref_slice %arg11[%add3A_61, %dma_wait3A_139] : memref<10112x128xf32, #tpu.memory_space<vmem_shared>> -> memref<96x128xf32, #tpu.memory_space<vmem_shared>>
      tpu.wait_dma2 semaphore(%run_scoped3A_132 : memref<!tpu.dma_semaphore, #tpu.memory_space<semaphore_mem>>) src(%arg10 : memref<96x128xf32, #tpu.memory_space<vmem>>) dst(%dma_wait3A_140 : memref<96x128xf32, #tpu.memory_space<vmem_shared>>)
      tpu.yield
    }) : () -> ()
    %add3A_62 = arith.constant 192 : i32
    %add3A_63 = arith.addi %mul3A_57, %add3A_62 : i32
    "tpu.region"() ({
      %run_scoped3A_132 = tpu.sem_alloc : memref<!tpu.dma_semaphore, #tpu.memory_space<semaphore_mem>>
      %dma_start3A_133 = arith.constant 0 : i32
      %dma_start3A_134 = tpu.memref_slice %arg11[%add3A_63, %dma_start3A_133] : memref<10112x128xf32, #tpu.memory_space<vmem_shared>> -> memref<96x128xf32, #tpu.memory_space<vmem_shared>>
      %dma_start3A_135 = arith.constant 0 : i32
      %dma_start3A_136 = tpu.memref_slice %arg11[%add3A_63, %dma_start3A_135] : memref<10112x128xf32, #tpu.memory_space<vmem_shared>> -> memref<96x128xf32, #tpu.memory_space<vmem_shared>>
      tpu.enqueue_dma source(%arg10 : memref<96x128xf32, #tpu.memory_space<vmem>>) target(%dma_start3A_136 : memref<96x128xf32, #tpu.memory_space<vmem_shared>>) target_semaphore(%run_scoped3A_132 : memref<!tpu.dma_semaphore, #tpu.memory_space<semaphore_mem>>)
      %dma_wait3A_137 = arith.constant 0 : i32
      %dma_wait3A_138 = tpu.memref_slice %arg11[%add3A_63, %dma_wait3A_137] : memref<10112x128xf32, #tpu.memory_space<vmem_shared>> -> memref<96x128xf32, #tpu.memory_space<vmem_shared>>
      %dma_wait3A_139 = arith.constant 0 : i32
      %dma_wait3A_140 = tpu.memref_slice %arg11[%add3A_63, %dma_wait3A_139] : memref<10112x128xf32, #tpu.memory_space<vmem_shared>> -> memref<96x128xf32, #tpu.memory_space<vmem_shared>>
      tpu.wait_dma2 semaphore(%run_scoped3A_132 : memref<!tpu.dma_semaphore, #tpu.memory_space<semaphore_mem>>) src(%arg10 : memref<96x128xf32, #tpu.memory_space<vmem>>) dst(%dma_wait3A_140 : memref<96x128xf32, #tpu.memory_space<vmem_shared>>)
      tpu.yield
    }) : () -> ()
    %add3A_64 = arith.constant 288 : i32
    %add3A_65 = arith.addi %mul3A_57, %add3A_64 : i32
    "tpu.region"() ({
      %run_scoped3A_132 = tpu.sem_alloc : memref<!tpu.dma_semaphore, #tpu.memory_space<semaphore_mem>>
      %dma_start3A_133 = arith.constant 0 : i32
      %dma_start3A_134 = tpu.memref_slice %arg11[%add3A_65, %dma_start3A_133] : memref<10112x128xf32, #tpu.memory_space<vmem_shared>> -> memref<96x128xf32, #tpu.memory_space<vmem_shared>>
      %dma_start3A_135 = arith.constant 0 : i32
      %dma_start3A_136 = tpu.memref_slice %arg11[%add3A_65, %dma_start3A_135] : memref<10112x128xf32, #tpu.memory_space<vmem_shared>> -> memref<96x128xf32, #tpu.memory_space<vmem_shared>>
      tpu.enqueue_dma source(%arg10 : memref<96x128xf32, #tpu.memory_space<vmem>>) target(%dma_start3A_136 : memref<96x128xf32, #tpu.memory_space<vmem_shared>>) target_semaphore(%run_scoped3A_132 : memref<!tpu.dma_semaphore, #tpu.memory_space<semaphore_mem>>)
      %dma_wait3A_137 = arith.constant 0 : i32
      %dma_wait3A_138 = tpu.memref_slice %arg11[%add3A_65, %dma_wait3A_137] : memref<10112x128xf32, #tpu.memory_space<vmem_shared>> -> memref<96x128xf32, #tpu.memory_space<vmem_shared>>
      %dma_wait3A_139 = arith.constant 0 : i32
      %dma_wait3A_140 = tpu.memref_slice %arg11[%add3A_65, %dma_wait3A_139] : memref<10112x128xf32, #tpu.memory_space<vmem_shared>> -> memref<96x128xf32, #tpu.memory_space<vmem_shared>>
      tpu.wait_dma2 semaphore(%run_scoped3A_132 : memref<!tpu.dma_semaphore, #tpu.memory_space<semaphore_mem>>) src(%arg10 : memref<96x128xf32, #tpu.memory_space<vmem>>) dst(%dma_wait3A_140 : memref<96x128xf32, #tpu.memory_space<vmem_shared>>)
      tpu.yield
    }) : () -> ()
    %add3A_66 = arith.constant 384 : i32
    %add3A_67 = arith.addi %mul3A_57, %add3A_66 : i32
    "tpu.region"() ({
      %run_scoped3A_132 = tpu.sem_alloc : memref<!tpu.dma_semaphore, #tpu.memory_space<semaphore_mem>>
      %dma_start3A_133 = arith.constant 0 : i32
      %dma_start3A_134 = tpu.memref_slice %arg11[%add3A_67, %dma_start3A_133] : memref<10112x128xf32, #tpu.memory_space<vmem_shared>> -> memref<96x128xf32, #tpu.memory_space<vmem_shared>>
      %dma_start3A_135 = arith.constant 0 : i32
      %dma_start3A_136 = tpu.memref_slice %arg11[%add3A_67, %dma_start3A_135] : memref<10112x128xf32, #tpu.memory_space<vmem_shared>> -> memref<96x128xf32, #tpu.memory_space<vmem_shared>>
      tpu.enqueue_dma source(%arg10 : memref<96x128xf32, #tpu.memory_space<vmem>>) target(%dma_start3A_136 : memref<96x128xf32, #tpu.memory_space<vmem_shared>>) target_semaphore(%run_scoped3A_132 : memref<!tpu.dma_semaphore, #tpu.memory_space<semaphore_mem>>)
      %dma_wait3A_137 = arith.constant 0 : i32
      %dma_wait3A_138 = tpu.memref_slice %arg11[%add3A_67, %dma_wait3A_137] : memref<10112x128xf32, #tpu.memory_space<vmem_shared>> -> memref<96x128xf32, #tpu.memory_space<vmem_shared>>
      %dma_wait3A_139 = arith.constant 0 : i32
      %dma_wait3A_140 = tpu.memref_slice %arg11[%add3A_67, %dma_wait3A_139] : memref<10112x128xf32, #tpu.memory_space<vmem_shared>> -> memref<96x128xf32, #tpu.memory_space<vmem_shared>>
      tpu.wait_dma2 semaphore(%run_scoped3A_132 : memref<!tpu.dma_semaphore, #tpu.memory_space<semaphore_mem>>) src(%arg10 : memref<96x128xf32, #tpu.memory_space<vmem>>) dst(%dma_wait3A_140 : memref<96x128xf32, #tpu.memory_space<vmem_shared>>)
      tpu.yield
    }) : () -> ()
    %add3A_68 = arith.constant 480 : i32
    %add3A_69 = arith.addi %mul3A_57, %add3A_68 : i32
    "tpu.region"() ({
      %run_scoped3A_132 = tpu.sem_alloc : memref<!tpu.dma_semaphore, #tpu.memory_space<semaphore_mem>>
      %dma_start3A_133 = arith.constant 0 : i32
      %dma_start3A_134 = tpu.memref_slice %arg11[%add3A_69, %dma_start3A_133] : memref<10112x128xf32, #tpu.memory_space<vmem_shared>> -> memref<96x128xf32, #tpu.memory_space<vmem_shared>>
      %dma_start3A_135 = arith.constant 0 : i32
      %dma_start3A_136 = tpu.memref_slice %arg11[%add3A_69, %dma_start3A_135] : memref<10112x128xf32, #tpu.memory_space<vmem_shared>> -> memref<96x128xf32, #tpu.memory_space<vmem_shared>>
      tpu.enqueue_dma source(%arg10 : memref<96x128xf32, #tpu.memory_space<vmem>>) target(%dma_start3A_136 : memref<96x128xf32, #tpu.memory_space<vmem_shared>>) target_semaphore(%run_scoped3A_132 : memref<!tpu.dma_semaphore, #tpu.memory_space<semaphore_mem>>)
      %dma_wait3A_137 = arith.constant 0 : i32
      %dma_wait3A_138 = tpu.memref_slice %arg11[%add3A_69, %dma_wait3A_137] : memref<10112x128xf32, #tpu.memory_space<vmem_shared>> -> memref<96x128xf32, #tpu.memory_space<vmem_shared>>
      %dma_wait3A_139 = arith.constant 0 : i32
      %dma_wait3A_140 = tpu.memref_slice %arg11[%add3A_69, %dma_wait3A_139] : memref<10112x128xf32, #tpu.memory_space<vmem_shared>> -> memref<96x128xf32, #tpu.memory_space<vmem_shared>>
      tpu.wait_dma2 semaphore(%run_scoped3A_132 : memref<!tpu.dma_semaphore, #tpu.memory_space<semaphore_mem>>) src(%arg10 : memref<96x128xf32, #tpu.memory_space<vmem>>) dst(%dma_wait3A_140 : memref<96x128xf32, #tpu.memory_space<vmem_shared>>)
      tpu.yield
    }) : () -> ()
    %add3A_70 = arith.constant 576 : i32
    %add3A_71 = arith.addi %mul3A_57, %add3A_70 : i32
    "tpu.region"() ({
      %run_scoped3A_132 = tpu.sem_alloc : memref<!tpu.dma_semaphore, #tpu.memory_space<semaphore_mem>>
      %dma_start3A_133 = arith.constant 0 : i32
      %dma_start3A_134 = arith.constant 0 : i32
      %dma_start3A_135 = tpu.memref_slice %arg10[%dma_start3A_133, %dma_start3A_134] : memref<96x128xf32, #tpu.memory_space<vmem>> -> memref<56x128xf32, #tpu.memory_space<vmem>>
      %dma_start3A_136 = arith.constant 0 : i32
      %dma_start3A_137 = tpu.memref_slice %arg11[%add3A_71, %dma_start3A_136] : memref<10112x128xf32, #tpu.memory_space<vmem_shared>> -> memref<56x128xf32, #tpu.memory_space<vmem_shared>>
      %dma_start3A_138 = arith.constant 0 : i32
      %dma_start3A_139 = tpu.memref_slice %arg11[%add3A_71, %dma_start3A_138] : memref<10112x128xf32, #tpu.memory_space<vmem_shared>> -> memref<56x128xf32, #tpu.memory_space<vmem_shared>>
      %dma_start3A_140 = arith.constant 0 : i32
      %dma_start3A_141 = arith.constant 0 : i32
      %dma_start3A_142 = tpu.memref_slice %arg10[%dma_start3A_140, %dma_start3A_141] : memref<96x128xf32, #tpu.memory_space<vmem>> -> memref<56x128xf32, #tpu.memory_space<vmem>>
      tpu.enqueue_dma source(%dma_start3A_142 : memref<56x128xf32, #tpu.memory_space<vmem>>) target(%dma_start3A_139 : memref<56x128xf32, #tpu.memory_space<vmem_shared>>) target_semaphore(%run_scoped3A_132 : memref<!tpu.dma_semaphore, #tpu.memory_space<semaphore_mem>>)
      %dma_wait3A_143 = arith.constant 0 : i32
      %dma_wait3A_144 = arith.constant 0 : i32
      %dma_wait3A_145 = tpu.memref_slice %arg10[%dma_wait3A_143, %dma_wait3A_144] : memref<96x128xf32, #tpu.memory_space<vmem>> -> memref<56x128xf32, #tpu.memory_space<vmem>>
      %dma_wait3A_146 = arith.constant 0 : i32
      %dma_wait3A_147 = tpu.memref_slice %arg11[%add3A_71, %dma_wait3A_146] : memref<10112x128xf32, #tpu.memory_space<vmem_shared>> -> memref<56x128xf32, #tpu.memory_space<vmem_shared>>
      %dma_wait3A_148 = arith.constant 0 : i32
      %dma_wait3A_149 = tpu.memref_slice %arg11[%add3A_71, %dma_wait3A_148] : memref<10112x128xf32, #tpu.memory_space<vmem_shared>> -> memref<56x128xf32, #tpu.memory_space<vmem_shared>>
      %dma_wait3A_150 = arith.constant 0 : i32
      %dma_wait3A_151 = arith.constant 0 : i32
      %dma_wait3A_152 = tpu.memref_slice %arg10[%dma_wait3A_150, %dma_wait3A_151] : memref<96x128xf32, #tpu.memory_space<vmem>> -> memref<56x128xf32, #tpu.memory_space<vmem>>
      tpu.wait_dma2 semaphore(%run_scoped3A_132 : memref<!tpu.dma_semaphore, #tpu.memory_space<semaphore_mem>>) src(%dma_wait3A_152 : memref<56x128xf32, #tpu.memory_space<vmem>>) dst(%dma_wait3A_149 : memref<56x128xf32, #tpu.memory_space<vmem_shared>>)
      tpu.yield
    }) : () -> ()
    %barrier3A = arith.constant 0 : index
    tpu.barrier barrier_id(%barrier3A)
    %scan3A_72 = arith.constant 0 : i32
    %scan3A_73 = arith.constant 0 : i32
    %scan3A_74 = arith.constant 12 : i32
    %scan3A_75 = arith.addi %scan3A_73, %scan3A_74 : i32
    %scan3A_76 = arith.constant 1 : i32
    %scan3A_77 = scf.for %scan3A_132 = %scan3A_73 to %scan3A_75 step %scan3A_76 iter_args(%scan3A_133 = %scan3A_72) -> (i32)  : i32 {
      %mul3A_134 = arith.constant 3 : i32
      %mul3A_135 = arith.muli %mul3A_134, %scan3A_132 : i32
      %add3A_136 = arith.constant 0 : i32
      %add3A_137 = arith.addi %mul3A_135, %add3A_136 : i32
      %dma_wait3A_138 = arith.constant 0 : i32
      %dma_wait3A_139 = arith.constant 0 : i32
      %dma_wait3A_140 = tpu.memref_slice %arg6[%dma_wait3A_138, %dma_wait3A_139] : memref<36x96xi32, #tpu.memory_space<vmem>> -> memref<1x96xi32, #tpu.memory_space<vmem>>
      %dma_wait3A_141 = tpu.memref_squeeze %dma_wait3A_140 : memref<1x96xi32, #tpu.memory_space<vmem>> -> memref<96xi32, #tpu.memory_space<vmem>>
      %dma_wait3A_142 = arith.constant 0 : i32
      %dma_wait3A_143 = arith.constant 0 : i32
      %dma_wait3A_144 = tpu.memref_slice %arg2[%dma_wait3A_142, %dma_wait3A_143] : memref<10000x128xf32, #tpu.memory_space<hbm>> -> memref<10000x128xf32, #tpu.memory_space<hbm>>
      tpu.wait_indirect_dma semaphore(%arg13 : memref<!tpu.dma_semaphore, #tpu.memory_space<semaphore_mem>>) src(%dma_wait3A_144 : memref<10000x128xf32, #tpu.memory_space<hbm>>) dst(%arg8 : memref<96x128xf32, #tpu.memory_space<vmem>>)
      %dma_start3A_145 = arith.constant 0 : i32
      %dma_start3A_146 = tpu.memref_slice %arg7[%add3A_137, %dma_start3A_145] : memref<36x96xi32, #tpu.memory_space<vmem>> -> memref<1x96xi32, #tpu.memory_space<vmem>>
      %dma_start3A_147 = tpu.memref_squeeze %dma_start3A_146 : memref<1x96xi32, #tpu.memory_space<vmem>> -> memref<96xi32, #tpu.memory_space<vmem>>
      %dma_start3A_148 = arith.constant 0 : i32
      %dma_start3A_149 = arith.constant 0 : i32
      %dma_start3A_150 = tpu.memref_slice %arg11[%dma_start3A_148, %dma_start3A_149] : memref<10112x128xf32, #tpu.memory_space<vmem_shared>> -> memref<10112x128xf32, #tpu.memory_space<vmem_shared>>
      tpu.enqueue_indirect_dma source(%arg8 : memref<96x128xf32, #tpu.memory_space<vmem>>) target(%dma_start3A_150 : memref<10112x128xf32, #tpu.memory_space<vmem_shared>>) offsets(%dma_start3A_147 : memref<96xi32, #tpu.memory_space<vmem>>) semaphore(%arg14 : memref<!tpu.dma_semaphore, #tpu.memory_space<semaphore_mem>>) {add = true}
      %gt3A = arith.constant 0 : i32
      %gt3A_151 = arith.cmpi sgt, %scan3A_132, %gt3A : i32
      %convert_element_type3A = arith.extui %gt3A_151 : i1 to i32
      %cond3A = arith.constant 0 : i32
      %cond3A_152 = arith.cmpi ne, %convert_element_type3A, %cond3A : i32
      scf.if %cond3A_152 {
        %dma_wait3A_222 = arith.constant 0 : i32
        %dma_wait3A_223 = arith.constant 0 : i32
        %dma_wait3A_224 = tpu.memref_slice %arg7[%dma_wait3A_222, %dma_wait3A_223] : memref<36x96xi32, #tpu.memory_space<vmem>> -> memref<1x96xi32, #tpu.memory_space<vmem>>
        %dma_wait3A_225 = tpu.memref_squeeze %dma_wait3A_224 : memref<1x96xi32, #tpu.memory_space<vmem>> -> memref<96xi32, #tpu.memory_space<vmem>>
        %dma_wait3A_226 = arith.constant 0 : i32
        %dma_wait3A_227 = arith.constant 0 : i32
        %dma_wait3A_228 = tpu.memref_slice %arg11[%dma_wait3A_226, %dma_wait3A_227] : memref<10112x128xf32, #tpu.memory_space<vmem_shared>> -> memref<10112x128xf32, #tpu.memory_space<vmem_shared>>
        tpu.wait_indirect_dma semaphore(%arg14 : memref<!tpu.dma_semaphore, #tpu.memory_space<semaphore_mem>>) src(%arg8 : memref<96x128xf32, #tpu.memory_space<vmem>>) dst(%dma_wait3A_228 : memref<10112x128xf32, #tpu.memory_space<vmem_shared>>)
      } else {
      }
      %add3A_153 = arith.constant 2 : i32
      %add3A_154 = arith.addi %add3A_137, %add3A_153 : i32
      %lt3A = arith.constant 36 : i32
      %lt3A_155 = arith.cmpi slt, %add3A_154, %lt3A : i32
      %convert_element_type3A_156 = arith.extui %lt3A_155 : i1 to i32
      %cond3A_157 = arith.constant 0 : i32
      %cond3A_158 = arith.cmpi ne, %convert_element_type3A_156, %cond3A_157 : i32
      scf.if %cond3A_158 {
        %add3A_222 = arith.constant 2 : i32
        %add3A_223 = arith.addi %add3A_137, %add3A_222 : i32
        %dma_start3A_224 = arith.constant 0 : i32
        %dma_start3A_225 = tpu.memref_slice %arg6[%add3A_223, %dma_start3A_224] : memref<36x96xi32, #tpu.memory_space<vmem>> -> memref<1x96xi32, #tpu.memory_space<vmem>>
        %dma_start3A_226 = tpu.memref_squeeze %dma_start3A_225 : memref<1x96xi32, #tpu.memory_space<vmem>> -> memref<96xi32, #tpu.memory_space<vmem>>
        %dma_start3A_227 = arith.constant 0 : i32
        %dma_start3A_228 = arith.constant 0 : i32
        %dma_start3A_229 = tpu.memref_slice %arg2[%dma_start3A_227, %dma_start3A_228] : memref<10000x128xf32, #tpu.memory_space<hbm>> -> memref<10000x128xf32, #tpu.memory_space<hbm>>
        tpu.enqueue_indirect_dma source(%dma_start3A_229 : memref<10000x128xf32, #tpu.memory_space<hbm>>) target(%arg10 : memref<96x128xf32, #tpu.memory_space<vmem>>) offsets(%dma_start3A_226 : memref<96xi32, #tpu.memory_space<vmem>>) semaphore(%arg13 : memref<!tpu.dma_semaphore, #tpu.memory_space<semaphore_mem>>)
      } else {
      }
      %mul3A_159 = arith.constant 3 : i32
      %mul3A_160 = arith.muli %mul3A_159, %scan3A_132 : i32
      %add3A_161 = arith.constant 1 : i32
      %add3A_162 = arith.addi %mul3A_160, %add3A_161 : i32
      %dma_wait3A_163 = arith.constant 0 : i32
      %dma_wait3A_164 = arith.constant 0 : i32
      %dma_wait3A_165 = tpu.memref_slice %arg6[%dma_wait3A_163, %dma_wait3A_164] : memref<36x96xi32, #tpu.memory_space<vmem>> -> memref<1x96xi32, #tpu.memory_space<vmem>>
      %dma_wait3A_166 = tpu.memref_squeeze %dma_wait3A_165 : memref<1x96xi32, #tpu.memory_space<vmem>> -> memref<96xi32, #tpu.memory_space<vmem>>
      %dma_wait3A_167 = arith.constant 0 : i32
      %dma_wait3A_168 = arith.constant 0 : i32
      %dma_wait3A_169 = tpu.memref_slice %arg2[%dma_wait3A_167, %dma_wait3A_168] : memref<10000x128xf32, #tpu.memory_space<hbm>> -> memref<10000x128xf32, #tpu.memory_space<hbm>>
      tpu.wait_indirect_dma semaphore(%arg13 : memref<!tpu.dma_semaphore, #tpu.memory_space<semaphore_mem>>) src(%dma_wait3A_169 : memref<10000x128xf32, #tpu.memory_space<hbm>>) dst(%arg9 : memref<96x128xf32, #tpu.memory_space<vmem>>)
      %dma_start3A_170 = arith.constant 0 : i32
      %dma_start3A_171 = tpu.memref_slice %arg7[%add3A_162, %dma_start3A_170] : memref<36x96xi32, #tpu.memory_space<vmem>> -> memref<1x96xi32, #tpu.memory_space<vmem>>
      %dma_start3A_172 = tpu.memref_squeeze %dma_start3A_171 : memref<1x96xi32, #tpu.memory_space<vmem>> -> memref<96xi32, #tpu.memory_space<vmem>>
      %dma_start3A_173 = arith.constant 0 : i32
      %dma_start3A_174 = arith.constant 0 : i32
      %dma_start3A_175 = tpu.memref_slice %arg11[%dma_start3A_173, %dma_start3A_174] : memref<10112x128xf32, #tpu.memory_space<vmem_shared>> -> memref<10112x128xf32, #tpu.memory_space<vmem_shared>>
      tpu.enqueue_indirect_dma source(%arg9 : memref<96x128xf32, #tpu.memory_space<vmem>>) target(%dma_start3A_175 : memref<10112x128xf32, #tpu.memory_space<vmem_shared>>) offsets(%dma_start3A_172 : memref<96xi32, #tpu.memory_space<vmem>>) semaphore(%arg14 : memref<!tpu.dma_semaphore, #tpu.memory_space<semaphore_mem>>) {add = true}
      %dma_wait3A_176 = arith.constant 0 : i32
      %dma_wait3A_177 = arith.constant 0 : i32
      %dma_wait3A_178 = tpu.memref_slice %arg7[%dma_wait3A_176, %dma_wait3A_177] : memref<36x96xi32, #tpu.memory_space<vmem>> -> memref<1x96xi32, #tpu.memory_space<vmem>>
      %dma_wait3A_179 = tpu.memref_squeeze %dma_wait3A_178 : memref<1x96xi32, #tpu.memory_space<vmem>> -> memref<96xi32, #tpu.memory_space<vmem>>
      %dma_wait3A_180 = arith.constant 0 : i32
      %dma_wait3A_181 = arith.constant 0 : i32
      %dma_wait3A_182 = tpu.memref_slice %arg11[%dma_wait3A_180, %dma_wait3A_181] : memref<10112x128xf32, #tpu.memory_space<vmem_shared>> -> memref<10112x128xf32, #tpu.memory_space<vmem_shared>>
      tpu.wait_indirect_dma semaphore(%arg14 : memref<!tpu.dma_semaphore, #tpu.memory_space<semaphore_mem>>) src(%arg8 : memref<96x128xf32, #tpu.memory_space<vmem>>) dst(%dma_wait3A_182 : memref<10112x128xf32, #tpu.memory_space<vmem_shared>>)
      %add3A_183 = arith.constant 2 : i32
      %add3A_184 = arith.addi %add3A_162, %add3A_183 : i32
      %lt3A_185 = arith.constant 36 : i32
      %lt3A_186 = arith.cmpi slt, %add3A_184, %lt3A_185 : i32
      %convert_element_type3A_187 = arith.extui %lt3A_186 : i1 to i32
      %cond3A_188 = arith.constant 0 : i32
      %cond3A_189 = arith.cmpi ne, %convert_element_type3A_187, %cond3A_188 : i32
      scf.if %cond3A_189 {
        %add3A_222 = arith.constant 2 : i32
        %add3A_223 = arith.addi %add3A_162, %add3A_222 : i32
        %dma_start3A_224 = arith.constant 0 : i32
        %dma_start3A_225 = tpu.memref_slice %arg6[%add3A_223, %dma_start3A_224] : memref<36x96xi32, #tpu.memory_space<vmem>> -> memref<1x96xi32, #tpu.memory_space<vmem>>
        %dma_start3A_226 = tpu.memref_squeeze %dma_start3A_225 : memref<1x96xi32, #tpu.memory_space<vmem>> -> memref<96xi32, #tpu.memory_space<vmem>>
        %dma_start3A_227 = arith.constant 0 : i32
        %dma_start3A_228 = arith.constant 0 : i32
        %dma_start3A_229 = tpu.memref_slice %arg2[%dma_start3A_227, %dma_start3A_228] : memref<10000x128xf32, #tpu.memory_space<hbm>> -> memref<10000x128xf32, #tpu.memory_space<hbm>>
        tpu.enqueue_indirect_dma source(%dma_start3A_229 : memref<10000x128xf32, #tpu.memory_space<hbm>>) target(%arg8 : memref<96x128xf32, #tpu.memory_space<vmem>>) offsets(%dma_start3A_226 : memref<96xi32, #tpu.memory_space<vmem>>) semaphore(%arg13 : memref<!tpu.dma_semaphore, #tpu.memory_space<semaphore_mem>>)
      } else {
      }
      %mul3A_190 = arith.constant 3 : i32
      %mul3A_191 = arith.muli %mul3A_190, %scan3A_132 : i32
      %add3A_192 = arith.constant 2 : i32
      %add3A_193 = arith.addi %mul3A_191, %add3A_192 : i32
      %dma_wait3A_194 = arith.constant 0 : i32
      %dma_wait3A_195 = arith.constant 0 : i32
      %dma_wait3A_196 = tpu.memref_slice %arg6[%dma_wait3A_194, %dma_wait3A_195] : memref<36x96xi32, #tpu.memory_space<vmem>> -> memref<1x96xi32, #tpu.memory_space<vmem>>
      %dma_wait3A_197 = tpu.memref_squeeze %dma_wait3A_196 : memref<1x96xi32, #tpu.memory_space<vmem>> -> memref<96xi32, #tpu.memory_space<vmem>>
      %dma_wait3A_198 = arith.constant 0 : i32
      %dma_wait3A_199 = arith.constant 0 : i32
      %dma_wait3A_200 = tpu.memref_slice %arg2[%dma_wait3A_198, %dma_wait3A_199] : memref<10000x128xf32, #tpu.memory_space<hbm>> -> memref<10000x128xf32, #tpu.memory_space<hbm>>
      tpu.wait_indirect_dma semaphore(%arg13 : memref<!tpu.dma_semaphore, #tpu.memory_space<semaphore_mem>>) src(%dma_wait3A_200 : memref<10000x128xf32, #tpu.memory_space<hbm>>) dst(%arg10 : memref<96x128xf32, #tpu.memory_space<vmem>>)
      %dma_start3A_201 = arith.constant 0 : i32
      %dma_start3A_202 = tpu.memref_slice %arg7[%add3A_193, %dma_start3A_201] : memref<36x96xi32, #tpu.memory_space<vmem>> -> memref<1x96xi32, #tpu.memory_space<vmem>>
      %dma_start3A_203 = tpu.memref_squeeze %dma_start3A_202 : memref<1x96xi32, #tpu.memory_space<vmem>> -> memref<96xi32, #tpu.memory_space<vmem>>
      %dma_start3A_204 = arith.constant 0 : i32
      %dma_start3A_205 = arith.constant 0 : i32
      %dma_start3A_206 = tpu.memref_slice %arg11[%dma_start3A_204, %dma_start3A_205] : memref<10112x128xf32, #tpu.memory_space<vmem_shared>> -> memref<10112x128xf32, #tpu.memory_space<vmem_shared>>
      tpu.enqueue_indirect_dma source(%arg10 : memref<96x128xf32, #tpu.memory_space<vmem>>) target(%dma_start3A_206 : memref<10112x128xf32, #tpu.memory_space<vmem_shared>>) offsets(%dma_start3A_203 : memref<96xi32, #tpu.memory_space<vmem>>) semaphore(%arg14 : memref<!tpu.dma_semaphore, #tpu.memory_space<semaphore_mem>>) {add = true}
      %dma_wait3A_207 = arith.constant 0 : i32
      %dma_wait3A_208 = arith.constant 0 : i32
      %dma_wait3A_209 = tpu.memref_slice %arg7[%dma_wait3A_207, %dma_wait3A_208] : memref<36x96xi32, #tpu.memory_space<vmem>> -> memref<1x96xi32, #tpu.memory_space<vmem>>
      %dma_wait3A_210 = tpu.memref_squeeze %dma_wait3A_209 : memref<1x96xi32, #tpu.memory_space<vmem>> -> memref<96xi32, #tpu.memory_space<vmem>>
      %dma_wait3A_211 = arith.constant 0 : i32
      %dma_wait3A_212 = arith.constant 0 : i32
      %dma_wait3A_213 = tpu.memref_slice %arg11[%dma_wait3A_211, %dma_wait3A_212] : memref<10112x128xf32, #tpu.memory_space<vmem_shared>> -> memref<10112x128xf32, #tpu.memory_space<vmem_shared>>
      tpu.wait_indirect_dma semaphore(%arg14 : memref<!tpu.dma_semaphore, #tpu.memory_space<semaphore_mem>>) src(%arg8 : memref<96x128xf32, #tpu.memory_space<vmem>>) dst(%dma_wait3A_213 : memref<10112x128xf32, #tpu.memory_space<vmem_shared>>)
      %add3A_214 = arith.constant 2 : i32
      %add3A_215 = arith.addi %add3A_193, %add3A_214 : i32
      %lt3A_216 = arith.constant 36 : i32
      %lt3A_217 = arith.cmpi slt, %add3A_215, %lt3A_216 : i32
      %convert_element_type3A_218 = arith.extui %lt3A_217 : i1 to i32
      %cond3A_219 = arith.constant 0 : i32
      %cond3A_220 = arith.cmpi ne, %convert_element_type3A_218, %cond3A_219 : i32
      scf.if %cond3A_220 {
        %add3A_222 = arith.constant 2 : i32
        %add3A_223 = arith.addi %add3A_193, %add3A_222 : i32
        %dma_start3A_224 = arith.constant 0 : i32
        %dma_start3A_225 = tpu.memref_slice %arg6[%add3A_223, %dma_start3A_224] : memref<36x96xi32, #tpu.memory_space<vmem>> -> memref<1x96xi32, #tpu.memory_space<vmem>>
        %dma_start3A_226 = tpu.memref_squeeze %dma_start3A_225 : memref<1x96xi32, #tpu.memory_space<vmem>> -> memref<96xi32, #tpu.memory_space<vmem>>
        %dma_start3A_227 = arith.constant 0 : i32
        %dma_start3A_228 = arith.constant 0 : i32
        %dma_start3A_229 = tpu.memref_slice %arg2[%dma_start3A_227, %dma_start3A_228] : memref<10000x128xf32, #tpu.memory_space<hbm>> -> memref<10000x128xf32, #tpu.memory_space<hbm>>
        tpu.enqueue_indirect_dma source(%dma_start3A_229 : memref<10000x128xf32, #tpu.memory_space<hbm>>) target(%arg9 : memref<96x128xf32, #tpu.memory_space<vmem>>) offsets(%dma_start3A_226 : memref<96xi32, #tpu.memory_space<vmem>>) semaphore(%arg13 : memref<!tpu.dma_semaphore, #tpu.memory_space<semaphore_mem>>)
      } else {
      }
      %scan3A_221 = arith.constant 0 : i32
      scf.yield %scan3A_221 : i32
    }
    %scan3A_78 = arith.constant 12 : i32
    %run_scoped3A = arith.constant 1 : i32
    "tpu.region"() ({
      %run_scoped3A_132 = tpu.sem_alloc : memref<!tpu.dma_semaphore, #tpu.memory_space<semaphore_mem>>
      %dma_start3A_133 = arith.constant 0 : i32
      %dma_start3A_134 = arith.constant 0 : i32
      %dma_start3A_135 = tpu.memref_slice %arg3[%add3A, %run_scoped3A, %dma_start3A_133, %dma_start3A_134] : memref<32x3x36x96xi32, #tpu.memory_space<hbm>> -> memref<1x1x36x96xi32, #tpu.memory_space<hbm>>
      %dma_start3A_136 = tpu.memref_squeeze %dma_start3A_135 : memref<1x1x36x96xi32, #tpu.memory_space<hbm>> -> memref<36x96xi32, #tpu.memory_space<hbm>>
      %dma_start3A_137 = arith.constant 0 : i32
      %dma_start3A_138 = arith.constant 0 : i32
      %dma_start3A_139 = tpu.memref_slice %arg3[%add3A, %run_scoped3A, %dma_start3A_137, %dma_start3A_138] : memref<32x3x36x96xi32, #tpu.memory_space<hbm>> -> memref<1x1x36x96xi32, #tpu.memory_space<hbm>>
      %dma_start3A_140 = tpu.memref_squeeze %dma_start3A_139 : memref<1x1x36x96xi32, #tpu.memory_space<hbm>> -> memref<36x96xi32, #tpu.memory_space<hbm>>
      tpu.enqueue_dma source(%dma_start3A_140 : memref<36x96xi32, #tpu.memory_space<hbm>>) target(%arg6 : memref<36x96xi32, #tpu.memory_space<vmem>>) target_semaphore(%run_scoped3A_132 : memref<!tpu.dma_semaphore, #tpu.memory_space<semaphore_mem>>)
      %dma_wait3A_141 = arith.constant 0 : i32
      %dma_wait3A_142 = arith.constant 0 : i32
      %dma_wait3A_143 = tpu.memref_slice %arg3[%add3A, %run_scoped3A, %dma_wait3A_141, %dma_wait3A_142] : memref<32x3x36x96xi32, #tpu.memory_space<hbm>> -> memref<1x1x36x96xi32, #tpu.memory_space<hbm>>
      %dma_wait3A_144 = tpu.memref_squeeze %dma_wait3A_143 : memref<1x1x36x96xi32, #tpu.memory_space<hbm>> -> memref<36x96xi32, #tpu.memory_space<hbm>>
      %dma_wait3A_145 = arith.constant 0 : i32
      %dma_wait3A_146 = arith.constant 0 : i32
      %dma_wait3A_147 = tpu.memref_slice %arg3[%add3A, %run_scoped3A, %dma_wait3A_145, %dma_wait3A_146] : memref<32x3x36x96xi32, #tpu.memory_space<hbm>> -> memref<1x1x36x96xi32, #tpu.memory_space<hbm>>
      %dma_wait3A_148 = tpu.memref_squeeze %dma_wait3A_147 : memref<1x1x36x96xi32, #tpu.memory_space<hbm>> -> memref<36x96xi32, #tpu.memory_space<hbm>>
      tpu.wait_dma2 semaphore(%run_scoped3A_132 : memref<!tpu.dma_semaphore, #tpu.memory_space<semaphore_mem>>) src(%dma_wait3A_148 : memref<36x96xi32, #tpu.memory_space<hbm>>) dst(%arg6 : memref<36x96xi32, #tpu.memory_space<vmem>>)
      tpu.yield
    }) : () -> ()
    %run_scoped3A_79 = arith.constant 1 : i32
    "tpu.region"() ({
      %run_scoped3A_132 = tpu.sem_alloc : memref<!tpu.dma_semaphore, #tpu.memory_space<semaphore_mem>>
      %dma_start3A_133 = arith.constant 0 : i32
      %dma_start3A_134 = arith.constant 0 : i32
      %dma_start3A_135 = tpu.memref_slice %arg4[%add3A, %run_scoped3A_79, %dma_start3A_133, %dma_start3A_134] : memref<32x3x36x96xi32, #tpu.memory_space<hbm>> -> memref<1x1x36x96xi32, #tpu.memory_space<hbm>>
      %dma_start3A_136 = tpu.memref_squeeze %dma_start3A_135 : memref<1x1x36x96xi32, #tpu.memory_space<hbm>> -> memref<36x96xi32, #tpu.memory_space<hbm>>
      %dma_start3A_137 = arith.constant 0 : i32
      %dma_start3A_138 = arith.constant 0 : i32
      %dma_start3A_139 = tpu.memref_slice %arg4[%add3A, %run_scoped3A_79, %dma_start3A_137, %dma_start3A_138] : memref<32x3x36x96xi32, #tpu.memory_space<hbm>> -> memref<1x1x36x96xi32, #tpu.memory_space<hbm>>
      %dma_start3A_140 = tpu.memref_squeeze %dma_start3A_139 : memref<1x1x36x96xi32, #tpu.memory_space<hbm>> -> memref<36x96xi32, #tpu.memory_space<hbm>>
      tpu.enqueue_dma source(%dma_start3A_140 : memref<36x96xi32, #tpu.memory_space<hbm>>) target(%arg7 : memref<36x96xi32, #tpu.memory_space<vmem>>) target_semaphore(%run_scoped3A_132 : memref<!tpu.dma_semaphore, #tpu.memory_space<semaphore_mem>>)
      %dma_wait3A_141 = arith.constant 0 : i32
      %dma_wait3A_142 = arith.constant 0 : i32
      %dma_wait3A_143 = tpu.memref_slice %arg4[%add3A, %run_scoped3A_79, %dma_wait3A_141, %dma_wait3A_142] : memref<32x3x36x96xi32, #tpu.memory_space<hbm>> -> memref<1x1x36x96xi32, #tpu.memory_space<hbm>>
      %dma_wait3A_144 = tpu.memref_squeeze %dma_wait3A_143 : memref<1x1x36x96xi32, #tpu.memory_space<hbm>> -> memref<36x96xi32, #tpu.memory_space<hbm>>
      %dma_wait3A_145 = arith.constant 0 : i32
      %dma_wait3A_146 = arith.constant 0 : i32
      %dma_wait3A_147 = tpu.memref_slice %arg4[%add3A, %run_scoped3A_79, %dma_wait3A_145, %dma_wait3A_146] : memref<32x3x36x96xi32, #tpu.memory_space<hbm>> -> memref<1x1x36x96xi32, #tpu.memory_space<hbm>>
      %dma_wait3A_148 = tpu.memref_squeeze %dma_wait3A_147 : memref<1x1x36x96xi32, #tpu.memory_space<hbm>> -> memref<36x96xi32, #tpu.memory_space<hbm>>
      tpu.wait_dma2 semaphore(%run_scoped3A_132 : memref<!tpu.dma_semaphore, #tpu.memory_space<semaphore_mem>>) src(%dma_wait3A_148 : memref<36x96xi32, #tpu.memory_space<hbm>>) dst(%arg7 : memref<36x96xi32, #tpu.memory_space<vmem>>)
      tpu.yield
    }) : () -> ()
    %dma_start3A_80 = arith.constant 0 : i32
    %dma_start3A_81 = arith.constant 0 : i32
    %dma_start3A_82 = tpu.memref_slice %arg6[%dma_start3A_80, %dma_start3A_81] : memref<36x96xi32, #tpu.memory_space<vmem>> -> memref<1x96xi32, #tpu.memory_space<vmem>>
    %dma_start3A_83 = tpu.memref_squeeze %dma_start3A_82 : memref<1x96xi32, #tpu.memory_space<vmem>> -> memref<96xi32, #tpu.memory_space<vmem>>
    %dma_start3A_84 = arith.constant 0 : i32
    %dma_start3A_85 = arith.constant 0 : i32
    %dma_start3A_86 = tpu.memref_slice %arg2[%dma_start3A_84, %dma_start3A_85] : memref<10000x128xf32, #tpu.memory_space<hbm>> -> memref<10000x128xf32, #tpu.memory_space<hbm>>
    tpu.enqueue_indirect_dma source(%dma_start3A_86 : memref<10000x128xf32, #tpu.memory_space<hbm>>) target(%arg8 : memref<96x128xf32, #tpu.memory_space<vmem>>) offsets(%dma_start3A_83 : memref<96xi32, #tpu.memory_space<vmem>>) semaphore(%arg13 : memref<!tpu.dma_semaphore, #tpu.memory_space<semaphore_mem>>)
    %dma_start3A_87 = arith.constant 1 : i32
    %dma_start3A_88 = arith.constant 0 : i32
    %dma_start3A_89 = tpu.memref_slice %arg6[%dma_start3A_87, %dma_start3A_88] : memref<36x96xi32, #tpu.memory_space<vmem>> -> memref<1x96xi32, #tpu.memory_space<vmem>>
    %dma_start3A_90 = tpu.memref_squeeze %dma_start3A_89 : memref<1x96xi32, #tpu.memory_space<vmem>> -> memref<96xi32, #tpu.memory_space<vmem>>
    %dma_start3A_91 = arith.constant 0 : i32
    %dma_start3A_92 = arith.constant 0 : i32
    %dma_start3A_93 = tpu.memref_slice %arg2[%dma_start3A_91, %dma_start3A_92] : memref<10000x128xf32, #tpu.memory_space<hbm>> -> memref<10000x128xf32, #tpu.memory_space<hbm>>
    tpu.enqueue_indirect_dma source(%dma_start3A_93 : memref<10000x128xf32, #tpu.memory_space<hbm>>) target(%arg9 : memref<96x128xf32, #tpu.memory_space<vmem>>) offsets(%dma_start3A_90 : memref<96xi32, #tpu.memory_space<vmem>>) semaphore(%arg13 : memref<!tpu.dma_semaphore, #tpu.memory_space<semaphore_mem>>)
    %scan3A_94 = arith.constant 0 : i32
    %scan3A_95 = arith.constant 0 : i32
    %scan3A_96 = arith.constant 12 : i32
    %scan3A_97 = arith.addi %scan3A_95, %scan3A_96 : i32
    %scan3A_98 = arith.constant 1 : i32
    %scan3A_99 = scf.for %scan3A_132 = %scan3A_95 to %scan3A_97 step %scan3A_98 iter_args(%scan3A_133 = %scan3A_94) -> (i32)  : i32 {
      %mul3A_134 = arith.constant 3 : i32
      %mul3A_135 = arith.muli %mul3A_134, %scan3A_132 : i32
      %add3A_136 = arith.constant 0 : i32
      %add3A_137 = arith.addi %mul3A_135, %add3A_136 : i32
      %dma_wait3A_138 = arith.constant 0 : i32
      %dma_wait3A_139 = arith.constant 0 : i32
      %dma_wait3A_140 = tpu.memref_slice %arg6[%dma_wait3A_138, %dma_wait3A_139] : memref<36x96xi32, #tpu.memory_space<vmem>> -> memref<1x96xi32, #tpu.memory_space<vmem>>
      %dma_wait3A_141 = tpu.memref_squeeze %dma_wait3A_140 : memref<1x96xi32, #tpu.memory_space<vmem>> -> memref<96xi32, #tpu.memory_space<vmem>>
      %dma_wait3A_142 = arith.constant 0 : i32
      %dma_wait3A_143 = arith.constant 0 : i32
      %dma_wait3A_144 = tpu.memref_slice %arg2[%dma_wait3A_142, %dma_wait3A_143] : memref<10000x128xf32, #tpu.memory_space<hbm>> -> memref<10000x128xf32, #tpu.memory_space<hbm>>
      tpu.wait_indirect_dma semaphore(%arg13 : memref<!tpu.dma_semaphore, #tpu.memory_space<semaphore_mem>>) src(%dma_wait3A_144 : memref<10000x128xf32, #tpu.memory_space<hbm>>) dst(%arg8 : memref<96x128xf32, #tpu.memory_space<vmem>>)
      %dma_start3A_145 = arith.constant 0 : i32
      %dma_start3A_146 = tpu.memref_slice %arg7[%add3A_137, %dma_start3A_145] : memref<36x96xi32, #tpu.memory_space<vmem>> -> memref<1x96xi32, #tpu.memory_space<vmem>>
      %dma_start3A_147 = tpu.memref_squeeze %dma_start3A_146 : memref<1x96xi32, #tpu.memory_space<vmem>> -> memref<96xi32, #tpu.memory_space<vmem>>
      %dma_start3A_148 = arith.constant 0 : i32
      %dma_start3A_149 = arith.constant 0 : i32
      %dma_start3A_150 = tpu.memref_slice %arg11[%dma_start3A_148, %dma_start3A_149] : memref<10112x128xf32, #tpu.memory_space<vmem_shared>> -> memref<10112x128xf32, #tpu.memory_space<vmem_shared>>
      tpu.enqueue_indirect_dma source(%arg8 : memref<96x128xf32, #tpu.memory_space<vmem>>) target(%dma_start3A_150 : memref<10112x128xf32, #tpu.memory_space<vmem_shared>>) offsets(%dma_start3A_147 : memref<96xi32, #tpu.memory_space<vmem>>) semaphore(%arg14 : memref<!tpu.dma_semaphore, #tpu.memory_space<semaphore_mem>>) {add = true}
      %dma_wait3A_151 = arith.constant 0 : i32
      %dma_wait3A_152 = arith.constant 0 : i32
      %dma_wait3A_153 = tpu.memref_slice %arg7[%dma_wait3A_151, %dma_wait3A_152] : memref<36x96xi32, #tpu.memory_space<vmem>> -> memref<1x96xi32, #tpu.memory_space<vmem>>
      %dma_wait3A_154 = tpu.memref_squeeze %dma_wait3A_153 : memref<1x96xi32, #tpu.memory_space<vmem>> -> memref<96xi32, #tpu.memory_space<vmem>>
      %dma_wait3A_155 = arith.constant 0 : i32
      %dma_wait3A_156 = arith.constant 0 : i32
      %dma_wait3A_157 = tpu.memref_slice %arg11[%dma_wait3A_155, %dma_wait3A_156] : memref<10112x128xf32, #tpu.memory_space<vmem_shared>> -> memref<10112x128xf32, #tpu.memory_space<vmem_shared>>
      tpu.wait_indirect_dma semaphore(%arg14 : memref<!tpu.dma_semaphore, #tpu.memory_space<semaphore_mem>>) src(%arg8 : memref<96x128xf32, #tpu.memory_space<vmem>>) dst(%dma_wait3A_157 : memref<10112x128xf32, #tpu.memory_space<vmem_shared>>)
      %add3A_158 = arith.constant 2 : i32
      %add3A_159 = arith.addi %add3A_137, %add3A_158 : i32
      %lt3A = arith.constant 36 : i32
      %lt3A_160 = arith.cmpi slt, %add3A_159, %lt3A : i32
      %convert_element_type3A = arith.extui %lt3A_160 : i1 to i32
      %cond3A = arith.constant 0 : i32
      %cond3A_161 = arith.cmpi ne, %convert_element_type3A, %cond3A : i32
      scf.if %cond3A_161 {
        %add3A_225 = arith.constant 2 : i32
        %add3A_226 = arith.addi %add3A_137, %add3A_225 : i32
        %dma_start3A_227 = arith.constant 0 : i32
        %dma_start3A_228 = tpu.memref_slice %arg6[%add3A_226, %dma_start3A_227] : memref<36x96xi32, #tpu.memory_space<vmem>> -> memref<1x96xi32, #tpu.memory_space<vmem>>
        %dma_start3A_229 = tpu.memref_squeeze %dma_start3A_228 : memref<1x96xi32, #tpu.memory_space<vmem>> -> memref<96xi32, #tpu.memory_space<vmem>>
        %dma_start3A_230 = arith.constant 0 : i32
        %dma_start3A_231 = arith.constant 0 : i32
        %dma_start3A_232 = tpu.memref_slice %arg2[%dma_start3A_230, %dma_start3A_231] : memref<10000x128xf32, #tpu.memory_space<hbm>> -> memref<10000x128xf32, #tpu.memory_space<hbm>>
        tpu.enqueue_indirect_dma source(%dma_start3A_232 : memref<10000x128xf32, #tpu.memory_space<hbm>>) target(%arg10 : memref<96x128xf32, #tpu.memory_space<vmem>>) offsets(%dma_start3A_229 : memref<96xi32, #tpu.memory_space<vmem>>) semaphore(%arg13 : memref<!tpu.dma_semaphore, #tpu.memory_space<semaphore_mem>>)
      } else {
      }
      %mul3A_162 = arith.constant 3 : i32
      %mul3A_163 = arith.muli %mul3A_162, %scan3A_132 : i32
      %add3A_164 = arith.constant 1 : i32
      %add3A_165 = arith.addi %mul3A_163, %add3A_164 : i32
      %dma_wait3A_166 = arith.constant 0 : i32
      %dma_wait3A_167 = arith.constant 0 : i32
      %dma_wait3A_168 = tpu.memref_slice %arg6[%dma_wait3A_166, %dma_wait3A_167] : memref<36x96xi32, #tpu.memory_space<vmem>> -> memref<1x96xi32, #tpu.memory_space<vmem>>
      %dma_wait3A_169 = tpu.memref_squeeze %dma_wait3A_168 : memref<1x96xi32, #tpu.memory_space<vmem>> -> memref<96xi32, #tpu.memory_space<vmem>>
      %dma_wait3A_170 = arith.constant 0 : i32
      %dma_wait3A_171 = arith.constant 0 : i32
      %dma_wait3A_172 = tpu.memref_slice %arg2[%dma_wait3A_170, %dma_wait3A_171] : memref<10000x128xf32, #tpu.memory_space<hbm>> -> memref<10000x128xf32, #tpu.memory_space<hbm>>
      tpu.wait_indirect_dma semaphore(%arg13 : memref<!tpu.dma_semaphore, #tpu.memory_space<semaphore_mem>>) src(%dma_wait3A_172 : memref<10000x128xf32, #tpu.memory_space<hbm>>) dst(%arg9 : memref<96x128xf32, #tpu.memory_space<vmem>>)
      %dma_start3A_173 = arith.constant 0 : i32
      %dma_start3A_174 = tpu.memref_slice %arg7[%add3A_165, %dma_start3A_173] : memref<36x96xi32, #tpu.memory_space<vmem>> -> memref<1x96xi32, #tpu.memory_space<vmem>>
      %dma_start3A_175 = tpu.memref_squeeze %dma_start3A_174 : memref<1x96xi32, #tpu.memory_space<vmem>> -> memref<96xi32, #tpu.memory_space<vmem>>
      %dma_start3A_176 = arith.constant 0 : i32
      %dma_start3A_177 = arith.constant 0 : i32
      %dma_start3A_178 = tpu.memref_slice %arg11[%dma_start3A_176, %dma_start3A_177] : memref<10112x128xf32, #tpu.memory_space<vmem_shared>> -> memref<10112x128xf32, #tpu.memory_space<vmem_shared>>
      tpu.enqueue_indirect_dma source(%arg9 : memref<96x128xf32, #tpu.memory_space<vmem>>) target(%dma_start3A_178 : memref<10112x128xf32, #tpu.memory_space<vmem_shared>>) offsets(%dma_start3A_175 : memref<96xi32, #tpu.memory_space<vmem>>) semaphore(%arg14 : memref<!tpu.dma_semaphore, #tpu.memory_space<semaphore_mem>>) {add = true}
      %dma_wait3A_179 = arith.constant 0 : i32
      %dma_wait3A_180 = arith.constant 0 : i32
      %dma_wait3A_181 = tpu.memref_slice %arg7[%dma_wait3A_179, %dma_wait3A_180] : memref<36x96xi32, #tpu.memory_space<vmem>> -> memref<1x96xi32, #tpu.memory_space<vmem>>
      %dma_wait3A_182 = tpu.memref_squeeze %dma_wait3A_181 : memref<1x96xi32, #tpu.memory_space<vmem>> -> memref<96xi32, #tpu.memory_space<vmem>>
      %dma_wait3A_183 = arith.constant 0 : i32
      %dma_wait3A_184 = arith.constant 0 : i32
      %dma_wait3A_185 = tpu.memref_slice %arg11[%dma_wait3A_183, %dma_wait3A_184] : memref<10112x128xf32, #tpu.memory_space<vmem_shared>> -> memref<10112x128xf32, #tpu.memory_space<vmem_shared>>
      tpu.wait_indirect_dma semaphore(%arg14 : memref<!tpu.dma_semaphore, #tpu.memory_space<semaphore_mem>>) src(%arg8 : memref<96x128xf32, #tpu.memory_space<vmem>>) dst(%dma_wait3A_185 : memref<10112x128xf32, #tpu.memory_space<vmem_shared>>)
      %add3A_186 = arith.constant 2 : i32
      %add3A_187 = arith.addi %add3A_165, %add3A_186 : i32
      %lt3A_188 = arith.constant 36 : i32
      %lt3A_189 = arith.cmpi slt, %add3A_187, %lt3A_188 : i32
      %convert_element_type3A_190 = arith.extui %lt3A_189 : i1 to i32
      %cond3A_191 = arith.constant 0 : i32
      %cond3A_192 = arith.cmpi ne, %convert_element_type3A_190, %cond3A_191 : i32
      scf.if %cond3A_192 {
        %add3A_225 = arith.constant 2 : i32
        %add3A_226 = arith.addi %add3A_165, %add3A_225 : i32
        %dma_start3A_227 = arith.constant 0 : i32
        %dma_start3A_228 = tpu.memref_slice %arg6[%add3A_226, %dma_start3A_227] : memref<36x96xi32, #tpu.memory_space<vmem>> -> memref<1x96xi32, #tpu.memory_space<vmem>>
        %dma_start3A_229 = tpu.memref_squeeze %dma_start3A_228 : memref<1x96xi32, #tpu.memory_space<vmem>> -> memref<96xi32, #tpu.memory_space<vmem>>
        %dma_start3A_230 = arith.constant 0 : i32
        %dma_start3A_231 = arith.constant 0 : i32
        %dma_start3A_232 = tpu.memref_slice %arg2[%dma_start3A_230, %dma_start3A_231] : memref<10000x128xf32, #tpu.memory_space<hbm>> -> memref<10000x128xf32, #tpu.memory_space<hbm>>
        tpu.enqueue_indirect_dma source(%dma_start3A_232 : memref<10000x128xf32, #tpu.memory_space<hbm>>) target(%arg8 : memref<96x128xf32, #tpu.memory_space<vmem>>) offsets(%dma_start3A_229 : memref<96xi32, #tpu.memory_space<vmem>>) semaphore(%arg13 : memref<!tpu.dma_semaphore, #tpu.memory_space<semaphore_mem>>)
      } else {
      }
      %mul3A_193 = arith.constant 3 : i32
      %mul3A_194 = arith.muli %mul3A_193, %scan3A_132 : i32
      %add3A_195 = arith.constant 2 : i32
      %add3A_196 = arith.addi %mul3A_194, %add3A_195 : i32
      %dma_wait3A_197 = arith.constant 0 : i32
      %dma_wait3A_198 = arith.constant 0 : i32
      %dma_wait3A_199 = tpu.memref_slice %arg6[%dma_wait3A_197, %dma_wait3A_198] : memref<36x96xi32, #tpu.memory_space<vmem>> -> memref<1x96xi32, #tpu.memory_space<vmem>>
      %dma_wait3A_200 = tpu.memref_squeeze %dma_wait3A_199 : memref<1x96xi32, #tpu.memory_space<vmem>> -> memref<96xi32, #tpu.memory_space<vmem>>
      %dma_wait3A_201 = arith.constant 0 : i32
      %dma_wait3A_202 = arith.constant 0 : i32
      %dma_wait3A_203 = tpu.memref_slice %arg2[%dma_wait3A_201, %dma_wait3A_202] : memref<10000x128xf32, #tpu.memory_space<hbm>> -> memref<10000x128xf32, #tpu.memory_space<hbm>>
      tpu.wait_indirect_dma semaphore(%arg13 : memref<!tpu.dma_semaphore, #tpu.memory_space<semaphore_mem>>) src(%dma_wait3A_203 : memref<10000x128xf32, #tpu.memory_space<hbm>>) dst(%arg10 : memref<96x128xf32, #tpu.memory_space<vmem>>)
      %dma_start3A_204 = arith.constant 0 : i32
      %dma_start3A_205 = tpu.memref_slice %arg7[%add3A_196, %dma_start3A_204] : memref<36x96xi32, #tpu.memory_space<vmem>> -> memref<1x96xi32, #tpu.memory_space<vmem>>
      %dma_start3A_206 = tpu.memref_squeeze %dma_start3A_205 : memref<1x96xi32, #tpu.memory_space<vmem>> -> memref<96xi32, #tpu.memory_space<vmem>>
      %dma_start3A_207 = arith.constant 0 : i32
      %dma_start3A_208 = arith.constant 0 : i32
      %dma_start3A_209 = tpu.memref_slice %arg11[%dma_start3A_207, %dma_start3A_208] : memref<10112x128xf32, #tpu.memory_space<vmem_shared>> -> memref<10112x128xf32, #tpu.memory_space<vmem_shared>>
      tpu.enqueue_indirect_dma source(%arg10 : memref<96x128xf32, #tpu.memory_space<vmem>>) target(%dma_start3A_209 : memref<10112x128xf32, #tpu.memory_space<vmem_shared>>) offsets(%dma_start3A_206 : memref<96xi32, #tpu.memory_space<vmem>>) semaphore(%arg14 : memref<!tpu.dma_semaphore, #tpu.memory_space<semaphore_mem>>) {add = true}
      %dma_wait3A_210 = arith.constant 0 : i32
      %dma_wait3A_211 = arith.constant 0 : i32
      %dma_wait3A_212 = tpu.memref_slice %arg7[%dma_wait3A_210, %dma_wait3A_211] : memref<36x96xi32, #tpu.memory_space<vmem>> -> memref<1x96xi32, #tpu.memory_space<vmem>>
      %dma_wait3A_213 = tpu.memref_squeeze %dma_wait3A_212 : memref<1x96xi32, #tpu.memory_space<vmem>> -> memref<96xi32, #tpu.memory_space<vmem>>
      %dma_wait3A_214 = arith.constant 0 : i32
      %dma_wait3A_215 = arith.constant 0 : i32
      %dma_wait3A_216 = tpu.memref_slice %arg11[%dma_wait3A_214, %dma_wait3A_215] : memref<10112x128xf32, #tpu.memory_space<vmem_shared>> -> memref<10112x128xf32, #tpu.memory_space<vmem_shared>>
      tpu.wait_indirect_dma semaphore(%arg14 : memref<!tpu.dma_semaphore, #tpu.memory_space<semaphore_mem>>) src(%arg8 : memref<96x128xf32, #tpu.memory_space<vmem>>) dst(%dma_wait3A_216 : memref<10112x128xf32, #tpu.memory_space<vmem_shared>>)
      %add3A_217 = arith.constant 2 : i32
      %add3A_218 = arith.addi %add3A_196, %add3A_217 : i32
      %lt3A_219 = arith.constant 36 : i32
      %lt3A_220 = arith.cmpi slt, %add3A_218, %lt3A_219 : i32
      %convert_element_type3A_221 = arith.extui %lt3A_220 : i1 to i32
      %cond3A_222 = arith.constant 0 : i32
      %cond3A_223 = arith.cmpi ne, %convert_element_type3A_221, %cond3A_222 : i32
      scf.if %cond3A_223 {
        %add3A_225 = arith.constant 2 : i32
        %add3A_226 = arith.addi %add3A_196, %add3A_225 : i32
        %dma_start3A_227 = arith.constant 0 : i32
        %dma_start3A_228 = tpu.memref_slice %arg6[%add3A_226, %dma_start3A_227] : memref<36x96xi32, #tpu.memory_space<vmem>> -> memref<1x96xi32, #tpu.memory_space<vmem>>
        %dma_start3A_229 = tpu.memref_squeeze %dma_start3A_228 : memref<1x96xi32, #tpu.memory_space<vmem>> -> memref<96xi32, #tpu.memory_space<vmem>>
        %dma_start3A_230 = arith.constant 0 : i32
        %dma_start3A_231 = arith.constant 0 : i32
        %dma_start3A_232 = tpu.memref_slice %arg2[%dma_start3A_230, %dma_start3A_231] : memref<10000x128xf32, #tpu.memory_space<hbm>> -> memref<10000x128xf32, #tpu.memory_space<hbm>>
        tpu.enqueue_indirect_dma source(%dma_start3A_232 : memref<10000x128xf32, #tpu.memory_space<hbm>>) target(%arg9 : memref<96x128xf32, #tpu.memory_space<vmem>>) offsets(%dma_start3A_229 : memref<96xi32, #tpu.memory_space<vmem>>) semaphore(%arg13 : memref<!tpu.dma_semaphore, #tpu.memory_space<semaphore_mem>>)
      } else {
      }
      %scan3A_224 = arith.constant 0 : i32
      scf.yield %scan3A_224 : i32
    }
    %scan3A_100 = arith.constant 12 : i32
    %run_scoped3A_101 = arith.constant 2 : i32
    "tpu.region"() ({
      %run_scoped3A_132 = tpu.sem_alloc : memref<!tpu.dma_semaphore, #tpu.memory_space<semaphore_mem>>
      %dma_start3A_133 = arith.constant 0 : i32
      %dma_start3A_134 = arith.constant 0 : i32
      %dma_start3A_135 = tpu.memref_slice %arg3[%add3A, %run_scoped3A_101, %dma_start3A_133, %dma_start3A_134] : memref<32x3x36x96xi32, #tpu.memory_space<hbm>> -> memref<1x1x36x96xi32, #tpu.memory_space<hbm>>
      %dma_start3A_136 = tpu.memref_squeeze %dma_start3A_135 : memref<1x1x36x96xi32, #tpu.memory_space<hbm>> -> memref<36x96xi32, #tpu.memory_space<hbm>>
      %dma_start3A_137 = arith.constant 0 : i32
      %dma_start3A_138 = arith.constant 0 : i32
      %dma_start3A_139 = tpu.memref_slice %arg3[%add3A, %run_scoped3A_101, %dma_start3A_137, %dma_start3A_138] : memref<32x3x36x96xi32, #tpu.memory_space<hbm>> -> memref<1x1x36x96xi32, #tpu.memory_space<hbm>>
      %dma_start3A_140 = tpu.memref_squeeze %dma_start3A_139 : memref<1x1x36x96xi32, #tpu.memory_space<hbm>> -> memref<36x96xi32, #tpu.memory_space<hbm>>
      tpu.enqueue_dma source(%dma_start3A_140 : memref<36x96xi32, #tpu.memory_space<hbm>>) target(%arg6 : memref<36x96xi32, #tpu.memory_space<vmem>>) target_semaphore(%run_scoped3A_132 : memref<!tpu.dma_semaphore, #tpu.memory_space<semaphore_mem>>)
      %dma_wait3A_141 = arith.constant 0 : i32
      %dma_wait3A_142 = arith.constant 0 : i32
      %dma_wait3A_143 = tpu.memref_slice %arg3[%add3A, %run_scoped3A_101, %dma_wait3A_141, %dma_wait3A_142] : memref<32x3x36x96xi32, #tpu.memory_space<hbm>> -> memref<1x1x36x96xi32, #tpu.memory_space<hbm>>
      %dma_wait3A_144 = tpu.memref_squeeze %dma_wait3A_143 : memref<1x1x36x96xi32, #tpu.memory_space<hbm>> -> memref<36x96xi32, #tpu.memory_space<hbm>>
      %dma_wait3A_145 = arith.constant 0 : i32
      %dma_wait3A_146 = arith.constant 0 : i32
      %dma_wait3A_147 = tpu.memref_slice %arg3[%add3A, %run_scoped3A_101, %dma_wait3A_145, %dma_wait3A_146] : memref<32x3x36x96xi32, #tpu.memory_space<hbm>> -> memref<1x1x36x96xi32, #tpu.memory_space<hbm>>
      %dma_wait3A_148 = tpu.memref_squeeze %dma_wait3A_147 : memref<1x1x36x96xi32, #tpu.memory_space<hbm>> -> memref<36x96xi32, #tpu.memory_space<hbm>>
      tpu.wait_dma2 semaphore(%run_scoped3A_132 : memref<!tpu.dma_semaphore, #tpu.memory_space<semaphore_mem>>) src(%dma_wait3A_148 : memref<36x96xi32, #tpu.memory_space<hbm>>) dst(%arg6 : memref<36x96xi32, #tpu.memory_space<vmem>>)
      tpu.yield
    }) : () -> ()
    %run_scoped3A_102 = arith.constant 2 : i32
    "tpu.region"() ({
      %run_scoped3A_132 = tpu.sem_alloc : memref<!tpu.dma_semaphore, #tpu.memory_space<semaphore_mem>>
      %dma_start3A_133 = arith.constant 0 : i32
      %dma_start3A_134 = arith.constant 0 : i32
      %dma_start3A_135 = tpu.memref_slice %arg4[%add3A, %run_scoped3A_102, %dma_start3A_133, %dma_start3A_134] : memref<32x3x36x96xi32, #tpu.memory_space<hbm>> -> memref<1x1x36x96xi32, #tpu.memory_space<hbm>>
      %dma_start3A_136 = tpu.memref_squeeze %dma_start3A_135 : memref<1x1x36x96xi32, #tpu.memory_space<hbm>> -> memref<36x96xi32, #tpu.memory_space<hbm>>
      %dma_start3A_137 = arith.constant 0 : i32
      %dma_start3A_138 = arith.constant 0 : i32
      %dma_start3A_139 = tpu.memref_slice %arg4[%add3A, %run_scoped3A_102, %dma_start3A_137, %dma_start3A_138] : memref<32x3x36x96xi32, #tpu.memory_space<hbm>> -> memref<1x1x36x96xi32, #tpu.memory_space<hbm>>
      %dma_start3A_140 = tpu.memref_squeeze %dma_start3A_139 : memref<1x1x36x96xi32, #tpu.memory_space<hbm>> -> memref<36x96xi32, #tpu.memory_space<hbm>>
      tpu.enqueue_dma source(%dma_start3A_140 : memref<36x96xi32, #tpu.memory_space<hbm>>) target(%arg7 : memref<36x96xi32, #tpu.memory_space<vmem>>) target_semaphore(%run_scoped3A_132 : memref<!tpu.dma_semaphore, #tpu.memory_space<semaphore_mem>>)
      %dma_wait3A_141 = arith.constant 0 : i32
      %dma_wait3A_142 = arith.constant 0 : i32
      %dma_wait3A_143 = tpu.memref_slice %arg4[%add3A, %run_scoped3A_102, %dma_wait3A_141, %dma_wait3A_142] : memref<32x3x36x96xi32, #tpu.memory_space<hbm>> -> memref<1x1x36x96xi32, #tpu.memory_space<hbm>>
      %dma_wait3A_144 = tpu.memref_squeeze %dma_wait3A_143 : memref<1x1x36x96xi32, #tpu.memory_space<hbm>> -> memref<36x96xi32, #tpu.memory_space<hbm>>
      %dma_wait3A_145 = arith.constant 0 : i32
      %dma_wait3A_146 = arith.constant 0 : i32
      %dma_wait3A_147 = tpu.memref_slice %arg4[%add3A, %run_scoped3A_102, %dma_wait3A_145, %dma_wait3A_146] : memref<32x3x36x96xi32, #tpu.memory_space<hbm>> -> memref<1x1x36x96xi32, #tpu.memory_space<hbm>>
      %dma_wait3A_148 = tpu.memref_squeeze %dma_wait3A_147 : memref<1x1x36x96xi32, #tpu.memory_space<hbm>> -> memref<36x96xi32, #tpu.memory_space<hbm>>
      tpu.wait_dma2 semaphore(%run_scoped3A_132 : memref<!tpu.dma_semaphore, #tpu.memory_space<semaphore_mem>>) src(%dma_wait3A_148 : memref<36x96xi32, #tpu.memory_space<hbm>>) dst(%arg7 : memref<36x96xi32, #tpu.memory_space<vmem>>)
      tpu.yield
    }) : () -> ()
    %dma_start3A_103 = arith.constant 0 : i32
    %dma_start3A_104 = arith.constant 0 : i32
    %dma_start3A_105 = tpu.memref_slice %arg6[%dma_start3A_103, %dma_start3A_104] : memref<36x96xi32, #tpu.memory_space<vmem>> -> memref<1x96xi32, #tpu.memory_space<vmem>>
    %dma_start3A_106 = tpu.memref_squeeze %dma_start3A_105 : memref<1x96xi32, #tpu.memory_space<vmem>> -> memref<96xi32, #tpu.memory_space<vmem>>
    %dma_start3A_107 = arith.constant 0 : i32
    %dma_start3A_108 = arith.constant 0 : i32
    %dma_start3A_109 = tpu.memref_slice %arg2[%dma_start3A_107, %dma_start3A_108] : memref<10000x128xf32, #tpu.memory_space<hbm>> -> memref<10000x128xf32, #tpu.memory_space<hbm>>
    tpu.enqueue_indirect_dma source(%dma_start3A_109 : memref<10000x128xf32, #tpu.memory_space<hbm>>) target(%arg8 : memref<96x128xf32, #tpu.memory_space<vmem>>) offsets(%dma_start3A_106 : memref<96xi32, #tpu.memory_space<vmem>>) semaphore(%arg13 : memref<!tpu.dma_semaphore, #tpu.memory_space<semaphore_mem>>)
    %dma_start3A_110 = arith.constant 1 : i32
    %dma_start3A_111 = arith.constant 0 : i32
    %dma_start3A_112 = tpu.memref_slice %arg6[%dma_start3A_110, %dma_start3A_111] : memref<36x96xi32, #tpu.memory_space<vmem>> -> memref<1x96xi32, #tpu.memory_space<vmem>>
    %dma_start3A_113 = tpu.memref_squeeze %dma_start3A_112 : memref<1x96xi32, #tpu.memory_space<vmem>> -> memref<96xi32, #tpu.memory_space<vmem>>
    %dma_start3A_114 = arith.constant 0 : i32
    %dma_start3A_115 = arith.constant 0 : i32
    %dma_start3A_116 = tpu.memref_slice %arg2[%dma_start3A_114, %dma_start3A_115] : memref<10000x128xf32, #tpu.memory_space<hbm>> -> memref<10000x128xf32, #tpu.memory_space<hbm>>
    tpu.enqueue_indirect_dma source(%dma_start3A_116 : memref<10000x128xf32, #tpu.memory_space<hbm>>) target(%arg9 : memref<96x128xf32, #tpu.memory_space<vmem>>) offsets(%dma_start3A_113 : memref<96xi32, #tpu.memory_space<vmem>>) semaphore(%arg13 : memref<!tpu.dma_semaphore, #tpu.memory_space<semaphore_mem>>)
    %scan3A_117 = arith.constant 0 : i32
    %scan3A_118 = arith.constant 0 : i32
    %scan3A_119 = arith.constant 12 : i32
    %scan3A_120 = arith.addi %scan3A_118, %scan3A_119 : i32
    %scan3A_121 = arith.constant 1 : i32
    %scan3A_122 = scf.for %scan3A_132 = %scan3A_118 to %scan3A_120 step %scan3A_121 iter_args(%scan3A_133 = %scan3A_117) -> (i32)  : i32 {
      %mul3A_134 = arith.constant 3 : i32
      %mul3A_135 = arith.muli %mul3A_134, %scan3A_132 : i32
      %add3A_136 = arith.constant 0 : i32
      %add3A_137 = arith.addi %mul3A_135, %add3A_136 : i32
      %dma_wait3A_138 = arith.constant 0 : i32
      %dma_wait3A_139 = arith.constant 0 : i32
      %dma_wait3A_140 = tpu.memref_slice %arg6[%dma_wait3A_138, %dma_wait3A_139] : memref<36x96xi32, #tpu.memory_space<vmem>> -> memref<1x96xi32, #tpu.memory_space<vmem>>
      %dma_wait3A_141 = tpu.memref_squeeze %dma_wait3A_140 : memref<1x96xi32, #tpu.memory_space<vmem>> -> memref<96xi32, #tpu.memory_space<vmem>>
      %dma_wait3A_142 = arith.constant 0 : i32
      %dma_wait3A_143 = arith.constant 0 : i32
      %dma_wait3A_144 = tpu.memref_slice %arg2[%dma_wait3A_142, %dma_wait3A_143] : memref<10000x128xf32, #tpu.memory_space<hbm>> -> memref<10000x128xf32, #tpu.memory_space<hbm>>
      tpu.wait_indirect_dma semaphore(%arg13 : memref<!tpu.dma_semaphore, #tpu.memory_space<semaphore_mem>>) src(%dma_wait3A_144 : memref<10000x128xf32, #tpu.memory_space<hbm>>) dst(%arg8 : memref<96x128xf32, #tpu.memory_space<vmem>>)
      %dma_start3A_145 = arith.constant 0 : i32
      %dma_start3A_146 = tpu.memref_slice %arg7[%add3A_137, %dma_start3A_145] : memref<36x96xi32, #tpu.memory_space<vmem>> -> memref<1x96xi32, #tpu.memory_space<vmem>>
      %dma_start3A_147 = tpu.memref_squeeze %dma_start3A_146 : memref<1x96xi32, #tpu.memory_space<vmem>> -> memref<96xi32, #tpu.memory_space<vmem>>
      %dma_start3A_148 = arith.constant 0 : i32
      %dma_start3A_149 = arith.constant 0 : i32
      %dma_start3A_150 = tpu.memref_slice %arg11[%dma_start3A_148, %dma_start3A_149] : memref<10112x128xf32, #tpu.memory_space<vmem_shared>> -> memref<10112x128xf32, #tpu.memory_space<vmem_shared>>
      tpu.enqueue_indirect_dma source(%arg8 : memref<96x128xf32, #tpu.memory_space<vmem>>) target(%dma_start3A_150 : memref<10112x128xf32, #tpu.memory_space<vmem_shared>>) offsets(%dma_start3A_147 : memref<96xi32, #tpu.memory_space<vmem>>) semaphore(%arg14 : memref<!tpu.dma_semaphore, #tpu.memory_space<semaphore_mem>>) {add = true}
      %dma_wait3A_151 = arith.constant 0 : i32
      %dma_wait3A_152 = arith.constant 0 : i32
      %dma_wait3A_153 = tpu.memref_slice %arg7[%dma_wait3A_151, %dma_wait3A_152] : memref<36x96xi32, #tpu.memory_space<vmem>> -> memref<1x96xi32, #tpu.memory_space<vmem>>
      %dma_wait3A_154 = tpu.memref_squeeze %dma_wait3A_153 : memref<1x96xi32, #tpu.memory_space<vmem>> -> memref<96xi32, #tpu.memory_space<vmem>>
      %dma_wait3A_155 = arith.constant 0 : i32
      %dma_wait3A_156 = arith.constant 0 : i32
      %dma_wait3A_157 = tpu.memref_slice %arg11[%dma_wait3A_155, %dma_wait3A_156] : memref<10112x128xf32, #tpu.memory_space<vmem_shared>> -> memref<10112x128xf32, #tpu.memory_space<vmem_shared>>
      tpu.wait_indirect_dma semaphore(%arg14 : memref<!tpu.dma_semaphore, #tpu.memory_space<semaphore_mem>>) src(%arg8 : memref<96x128xf32, #tpu.memory_space<vmem>>) dst(%dma_wait3A_157 : memref<10112x128xf32, #tpu.memory_space<vmem_shared>>)
      %add3A_158 = arith.constant 2 : i32
      %add3A_159 = arith.addi %add3A_137, %add3A_158 : i32
      %lt3A = arith.constant 36 : i32
      %lt3A_160 = arith.cmpi slt, %add3A_159, %lt3A : i32
      %convert_element_type3A = arith.extui %lt3A_160 : i1 to i32
      %cond3A = arith.constant 0 : i32
      %cond3A_161 = arith.cmpi ne, %convert_element_type3A, %cond3A : i32
      scf.if %cond3A_161 {
        %add3A_225 = arith.constant 2 : i32
        %add3A_226 = arith.addi %add3A_137, %add3A_225 : i32
        %dma_start3A_227 = arith.constant 0 : i32
        %dma_start3A_228 = tpu.memref_slice %arg6[%add3A_226, %dma_start3A_227] : memref<36x96xi32, #tpu.memory_space<vmem>> -> memref<1x96xi32, #tpu.memory_space<vmem>>
        %dma_start3A_229 = tpu.memref_squeeze %dma_start3A_228 : memref<1x96xi32, #tpu.memory_space<vmem>> -> memref<96xi32, #tpu.memory_space<vmem>>
        %dma_start3A_230 = arith.constant 0 : i32
        %dma_start3A_231 = arith.constant 0 : i32
        %dma_start3A_232 = tpu.memref_slice %arg2[%dma_start3A_230, %dma_start3A_231] : memref<10000x128xf32, #tpu.memory_space<hbm>> -> memref<10000x128xf32, #tpu.memory_space<hbm>>
        tpu.enqueue_indirect_dma source(%dma_start3A_232 : memref<10000x128xf32, #tpu.memory_space<hbm>>) target(%arg10 : memref<96x128xf32, #tpu.memory_space<vmem>>) offsets(%dma_start3A_229 : memref<96xi32, #tpu.memory_space<vmem>>) semaphore(%arg13 : memref<!tpu.dma_semaphore, #tpu.memory_space<semaphore_mem>>)
      } else {
      }
      %mul3A_162 = arith.constant 3 : i32
      %mul3A_163 = arith.muli %mul3A_162, %scan3A_132 : i32
      %add3A_164 = arith.constant 1 : i32
      %add3A_165 = arith.addi %mul3A_163, %add3A_164 : i32
      %dma_wait3A_166 = arith.constant 0 : i32
      %dma_wait3A_167 = arith.constant 0 : i32
      %dma_wait3A_168 = tpu.memref_slice %arg6[%dma_wait3A_166, %dma_wait3A_167] : memref<36x96xi32, #tpu.memory_space<vmem>> -> memref<1x96xi32, #tpu.memory_space<vmem>>
      %dma_wait3A_169 = tpu.memref_squeeze %dma_wait3A_168 : memref<1x96xi32, #tpu.memory_space<vmem>> -> memref<96xi32, #tpu.memory_space<vmem>>
      %dma_wait3A_170 = arith.constant 0 : i32
      %dma_wait3A_171 = arith.constant 0 : i32
      %dma_wait3A_172 = tpu.memref_slice %arg2[%dma_wait3A_170, %dma_wait3A_171] : memref<10000x128xf32, #tpu.memory_space<hbm>> -> memref<10000x128xf32, #tpu.memory_space<hbm>>
      tpu.wait_indirect_dma semaphore(%arg13 : memref<!tpu.dma_semaphore, #tpu.memory_space<semaphore_mem>>) src(%dma_wait3A_172 : memref<10000x128xf32, #tpu.memory_space<hbm>>) dst(%arg9 : memref<96x128xf32, #tpu.memory_space<vmem>>)
      %dma_start3A_173 = arith.constant 0 : i32
      %dma_start3A_174 = tpu.memref_slice %arg7[%add3A_165, %dma_start3A_173] : memref<36x96xi32, #tpu.memory_space<vmem>> -> memref<1x96xi32, #tpu.memory_space<vmem>>
      %dma_start3A_175 = tpu.memref_squeeze %dma_start3A_174 : memref<1x96xi32, #tpu.memory_space<vmem>> -> memref<96xi32, #tpu.memory_space<vmem>>
      %dma_start3A_176 = arith.constant 0 : i32
      %dma_start3A_177 = arith.constant 0 : i32
      %dma_start3A_178 = tpu.memref_slice %arg11[%dma_start3A_176, %dma_start3A_177] : memref<10112x128xf32, #tpu.memory_space<vmem_shared>> -> memref<10112x128xf32, #tpu.memory_space<vmem_shared>>
      tpu.enqueue_indirect_dma source(%arg9 : memref<96x128xf32, #tpu.memory_space<vmem>>) target(%dma_start3A_178 : memref<10112x128xf32, #tpu.memory_space<vmem_shared>>) offsets(%dma_start3A_175 : memref<96xi32, #tpu.memory_space<vmem>>) semaphore(%arg14 : memref<!tpu.dma_semaphore, #tpu.memory_space<semaphore_mem>>) {add = true}
      %dma_wait3A_179 = arith.constant 0 : i32
      %dma_wait3A_180 = arith.constant 0 : i32
      %dma_wait3A_181 = tpu.memref_slice %arg7[%dma_wait3A_179, %dma_wait3A_180] : memref<36x96xi32, #tpu.memory_space<vmem>> -> memref<1x96xi32, #tpu.memory_space<vmem>>
      %dma_wait3A_182 = tpu.memref_squeeze %dma_wait3A_181 : memref<1x96xi32, #tpu.memory_space<vmem>> -> memref<96xi32, #tpu.memory_space<vmem>>
      %dma_wait3A_183 = arith.constant 0 : i32
      %dma_wait3A_184 = arith.constant 0 : i32
      %dma_wait3A_185 = tpu.memref_slice %arg11[%dma_wait3A_183, %dma_wait3A_184] : memref<10112x128xf32, #tpu.memory_space<vmem_shared>> -> memref<10112x128xf32, #tpu.memory_space<vmem_shared>>
      tpu.wait_indirect_dma semaphore(%arg14 : memref<!tpu.dma_semaphore, #tpu.memory_space<semaphore_mem>>) src(%arg8 : memref<96x128xf32, #tpu.memory_space<vmem>>) dst(%dma_wait3A_185 : memref<10112x128xf32, #tpu.memory_space<vmem_shared>>)
      %add3A_186 = arith.constant 2 : i32
      %add3A_187 = arith.addi %add3A_165, %add3A_186 : i32
      %lt3A_188 = arith.constant 36 : i32
      %lt3A_189 = arith.cmpi slt, %add3A_187, %lt3A_188 : i32
      %convert_element_type3A_190 = arith.extui %lt3A_189 : i1 to i32
      %cond3A_191 = arith.constant 0 : i32
      %cond3A_192 = arith.cmpi ne, %convert_element_type3A_190, %cond3A_191 : i32
      scf.if %cond3A_192 {
        %add3A_225 = arith.constant 2 : i32
        %add3A_226 = arith.addi %add3A_165, %add3A_225 : i32
        %dma_start3A_227 = arith.constant 0 : i32
        %dma_start3A_228 = tpu.memref_slice %arg6[%add3A_226, %dma_start3A_227] : memref<36x96xi32, #tpu.memory_space<vmem>> -> memref<1x96xi32, #tpu.memory_space<vmem>>
        %dma_start3A_229 = tpu.memref_squeeze %dma_start3A_228 : memref<1x96xi32, #tpu.memory_space<vmem>> -> memref<96xi32, #tpu.memory_space<vmem>>
        %dma_start3A_230 = arith.constant 0 : i32
        %dma_start3A_231 = arith.constant 0 : i32
        %dma_start3A_232 = tpu.memref_slice %arg2[%dma_start3A_230, %dma_start3A_231] : memref<10000x128xf32, #tpu.memory_space<hbm>> -> memref<10000x128xf32, #tpu.memory_space<hbm>>
        tpu.enqueue_indirect_dma source(%dma_start3A_232 : memref<10000x128xf32, #tpu.memory_space<hbm>>) target(%arg8 : memref<96x128xf32, #tpu.memory_space<vmem>>) offsets(%dma_start3A_229 : memref<96xi32, #tpu.memory_space<vmem>>) semaphore(%arg13 : memref<!tpu.dma_semaphore, #tpu.memory_space<semaphore_mem>>)
      } else {
      }
      %mul3A_193 = arith.constant 3 : i32
      %mul3A_194 = arith.muli %mul3A_193, %scan3A_132 : i32
      %add3A_195 = arith.constant 2 : i32
      %add3A_196 = arith.addi %mul3A_194, %add3A_195 : i32
      %dma_wait3A_197 = arith.constant 0 : i32
      %dma_wait3A_198 = arith.constant 0 : i32
      %dma_wait3A_199 = tpu.memref_slice %arg6[%dma_wait3A_197, %dma_wait3A_198] : memref<36x96xi32, #tpu.memory_space<vmem>> -> memref<1x96xi32, #tpu.memory_space<vmem>>
      %dma_wait3A_200 = tpu.memref_squeeze %dma_wait3A_199 : memref<1x96xi32, #tpu.memory_space<vmem>> -> memref<96xi32, #tpu.memory_space<vmem>>
      %dma_wait3A_201 = arith.constant 0 : i32
      %dma_wait3A_202 = arith.constant 0 : i32
      %dma_wait3A_203 = tpu.memref_slice %arg2[%dma_wait3A_201, %dma_wait3A_202] : memref<10000x128xf32, #tpu.memory_space<hbm>> -> memref<10000x128xf32, #tpu.memory_space<hbm>>
      tpu.wait_indirect_dma semaphore(%arg13 : memref<!tpu.dma_semaphore, #tpu.memory_space<semaphore_mem>>) src(%dma_wait3A_203 : memref<10000x128xf32, #tpu.memory_space<hbm>>) dst(%arg10 : memref<96x128xf32, #tpu.memory_space<vmem>>)
      %dma_start3A_204 = arith.constant 0 : i32
      %dma_start3A_205 = tpu.memref_slice %arg7[%add3A_196, %dma_start3A_204] : memref<36x96xi32, #tpu.memory_space<vmem>> -> memref<1x96xi32, #tpu.memory_space<vmem>>
      %dma_start3A_206 = tpu.memref_squeeze %dma_start3A_205 : memref<1x96xi32, #tpu.memory_space<vmem>> -> memref<96xi32, #tpu.memory_space<vmem>>
      %dma_start3A_207 = arith.constant 0 : i32
      %dma_start3A_208 = arith.constant 0 : i32
      %dma_start3A_209 = tpu.memref_slice %arg11[%dma_start3A_207, %dma_start3A_208] : memref<10112x128xf32, #tpu.memory_space<vmem_shared>> -> memref<10112x128xf32, #tpu.memory_space<vmem_shared>>
      tpu.enqueue_indirect_dma source(%arg10 : memref<96x128xf32, #tpu.memory_space<vmem>>) target(%dma_start3A_209 : memref<10112x128xf32, #tpu.memory_space<vmem_shared>>) offsets(%dma_start3A_206 : memref<96xi32, #tpu.memory_space<vmem>>) semaphore(%arg14 : memref<!tpu.dma_semaphore, #tpu.memory_space<semaphore_mem>>) {add = true}
      %dma_wait3A_210 = arith.constant 0 : i32
      %dma_wait3A_211 = arith.constant 0 : i32
      %dma_wait3A_212 = tpu.memref_slice %arg7[%dma_wait3A_210, %dma_wait3A_211] : memref<36x96xi32, #tpu.memory_space<vmem>> -> memref<1x96xi32, #tpu.memory_space<vmem>>
      %dma_wait3A_213 = tpu.memref_squeeze %dma_wait3A_212 : memref<1x96xi32, #tpu.memory_space<vmem>> -> memref<96xi32, #tpu.memory_space<vmem>>
      %dma_wait3A_214 = arith.constant 0 : i32
      %dma_wait3A_215 = arith.constant 0 : i32
      %dma_wait3A_216 = tpu.memref_slice %arg11[%dma_wait3A_214, %dma_wait3A_215] : memref<10112x128xf32, #tpu.memory_space<vmem_shared>> -> memref<10112x128xf32, #tpu.memory_space<vmem_shared>>
      tpu.wait_indirect_dma semaphore(%arg14 : memref<!tpu.dma_semaphore, #tpu.memory_space<semaphore_mem>>) src(%arg8 : memref<96x128xf32, #tpu.memory_space<vmem>>) dst(%dma_wait3A_216 : memref<10112x128xf32, #tpu.memory_space<vmem_shared>>)
      %add3A_217 = arith.constant 2 : i32
      %add3A_218 = arith.addi %add3A_196, %add3A_217 : i32
      %lt3A_219 = arith.constant 36 : i32
      %lt3A_220 = arith.cmpi slt, %add3A_218, %lt3A_219 : i32
      %convert_element_type3A_221 = arith.extui %lt3A_220 : i1 to i32
      %cond3A_222 = arith.constant 0 : i32
      %cond3A_223 = arith.cmpi ne, %convert_element_type3A_221, %cond3A_222 : i32
      scf.if %cond3A_223 {
        %add3A_225 = arith.constant 2 : i32
        %add3A_226 = arith.addi %add3A_196, %add3A_225 : i32
        %dma_start3A_227 = arith.constant 0 : i32
        %dma_start3A_228 = tpu.memref_slice %arg6[%add3A_226, %dma_start3A_227] : memref<36x96xi32, #tpu.memory_space<vmem>> -> memref<1x96xi32, #tpu.memory_space<vmem>>
        %dma_start3A_229 = tpu.memref_squeeze %dma_start3A_228 : memref<1x96xi32, #tpu.memory_space<vmem>> -> memref<96xi32, #tpu.memory_space<vmem>>
        %dma_start3A_230 = arith.constant 0 : i32
        %dma_start3A_231 = arith.constant 0 : i32
        %dma_start3A_232 = tpu.memref_slice %arg2[%dma_start3A_230, %dma_start3A_231] : memref<10000x128xf32, #tpu.memory_space<hbm>> -> memref<10000x128xf32, #tpu.memory_space<hbm>>
        tpu.enqueue_indirect_dma source(%dma_start3A_232 : memref<10000x128xf32, #tpu.memory_space<hbm>>) target(%arg9 : memref<96x128xf32, #tpu.memory_space<vmem>>) offsets(%dma_start3A_229 : memref<96xi32, #tpu.memory_space<vmem>>) semaphore(%arg13 : memref<!tpu.dma_semaphore, #tpu.memory_space<semaphore_mem>>)
      } else {
      }
      %scan3A_224 = arith.constant 0 : i32
      scf.yield %scan3A_224 : i32
    }
    %scan3A_123 = arith.constant 12 : i32
    %dma_wait3A_124 = arith.constant 0 : i32
    %dma_wait3A_125 = arith.constant 0 : i32
    %dma_wait3A_126 = tpu.memref_slice %arg7[%dma_wait3A_124, %dma_wait3A_125] : memref<36x96xi32, #tpu.memory_space<vmem>> -> memref<1x96xi32, #tpu.memory_space<vmem>>
    %dma_wait3A_127 = tpu.memref_squeeze %dma_wait3A_126 : memref<1x96xi32, #tpu.memory_space<vmem>> -> memref<96xi32, #tpu.memory_space<vmem>>
    %dma_wait3A_128 = arith.constant 0 : i32
    %dma_wait3A_129 = arith.constant 0 : i32
    %dma_wait3A_130 = tpu.memref_slice %arg11[%dma_wait3A_128, %dma_wait3A_129] : memref<10112x128xf32, #tpu.memory_space<vmem_shared>> -> memref<10112x128xf32, #tpu.memory_space<vmem_shared>>
    tpu.wait_indirect_dma semaphore(%arg14 : memref<!tpu.dma_semaphore, #tpu.memory_space<semaphore_mem>>) src(%arg8 : memref<96x128xf32, #tpu.memory_space<vmem>>) dst(%dma_wait3A_130 : memref<10112x128xf32, #tpu.memory_space<vmem_shared>>)
    %barrier3A_131 = arith.constant 0 : index
    tpu.barrier barrier_id(%barrier3A_131)
    "tpu.region"() ({
      %run_scoped3A_132 = tpu.sem_alloc : memref<!tpu.dma_semaphore, #tpu.memory_space<semaphore_mem>>
      %dma_start3A_133 = arith.constant 0 : i32
      %dma_start3A_134 = tpu.memref_slice %arg5[%arg0, %mul3A_57, %dma_start3A_133] : memref<2x10112x128xf32, #tpu.memory_space<hbm>> -> memref<1x632x128xf32, #tpu.memory_space<hbm>>
      %dma_start3A_135 = tpu.memref_squeeze %dma_start3A_134 : memref<1x632x128xf32, #tpu.memory_space<hbm>> -> memref<632x128xf32, #tpu.memory_space<hbm>>
      %dma_start3A_136 = arith.constant 0 : i32
      %dma_start3A_137 = tpu.memref_slice %arg11[%mul3A_57, %dma_start3A_136] : memref<10112x128xf32, #tpu.memory_space<vmem_shared>> -> memref<632x128xf32, #tpu.memory_space<vmem_shared>>
      tpu.enqueue_dma source(%dma_start3A_137 : memref<632x128xf32, #tpu.memory_space<vmem_shared>>) target(%dma_start3A_135 : memref<632x128xf32, #tpu.memory_space<hbm>>) target_semaphore(%run_scoped3A_132 : memref<!tpu.dma_semaphore, #tpu.memory_space<semaphore_mem>>)
      %dma_wait3A_138 = arith.constant 0 : i32
      %dma_wait3A_139 = tpu.memref_slice %arg5[%arg0, %mul3A_57, %dma_wait3A_138] : memref<2x10112x128xf32, #tpu.memory_space<hbm>> -> memref<1x632x128xf32, #tpu.memory_space<hbm>>
      %dma_wait3A_140 = tpu.memref_squeeze %dma_wait3A_139 : memref<1x632x128xf32, #tpu.memory_space<hbm>> -> memref<632x128xf32, #tpu.memory_space<hbm>>
      %dma_wait3A_141 = arith.constant 0 : i32
      %dma_wait3A_142 = tpu.memref_slice %arg11[%mul3A_57, %dma_wait3A_141] : memref<10112x128xf32, #tpu.memory_space<vmem_shared>> -> memref<632x128xf32, #tpu.memory_space<vmem_shared>>
      tpu.wait_dma2 semaphore(%run_scoped3A_132 : memref<!tpu.dma_semaphore, #tpu.memory_space<semaphore_mem>>) src(%dma_wait3A_142 : memref<632x128xf32, #tpu.memory_space<vmem_shared>>) dst(%dma_wait3A_140 : memref<632x128xf32, #tpu.memory_space<hbm>>)
      tpu.yield
    }) : () -> ()
    return
  }
}

</mosaic_0001>

<sc_bundles>
// kernel: _scatter_partials.3.cloned.1.call-start
scs
__scs_entry_jumppad:
0x0: {  	(pc) =	sbr.rel $0x88, $3  }
0x1: {  	(tag) =	ssettag $0x0;
	lr =	simm.s32 $0x1  }
0x2: {  	[smem:$0x3F9E] =	sst lr;
	_ =	strace $0xD0000000  }
0x3: {  	_ = 	snop  }
0x4: {  	_ = 	snop  }
0x5: {  	_ = 	snop  }
0x6: {  	_ = 	snop  }
0x7: {  	_ = 	snop  }
__scs_overlays_trampoline_lowered:
0x8: {  	[smem:$0x3FAD] =	sst s0  }
0x9: {  	[smem:$0x3FAE] =	sst s1  }
0xa: {  	[smem:$0x3FAF] =	sst s2  }
0xb: {  	[smem:$0x3FB0] =	sst s3  }
0xc: {  	[smem:$0x3FB1] =	sst s4  }
0xd: {  	[smem:$0x3FB2] =	sst s5  }
0xe: {  	[smem:$0x3FB3] =	sst s6  }
0xf: {  	[smem:$0x3FB4] =	sst s7  }
0x10: {  	[smem:$0x3FB5] =	sst s8  }
0x11: {  	[smem:$0x3FB6] =	sst s9;
	s0 =	simm.s32 @!p0 $0x0  }
0x12: {  	s1 =	sld [smem:$0x3F9C];
	s0 =	simm.s32 @p0 $0x1  }
0x13: {  	[smem:$0x3FB7] =	sst s0;
	s0 =	simm.s32 @!p1 $0x0  }
0x14: {  	s2 =	sld [smem:$0x3F9B];
	s0 =	simm.s32 @p1 $0x1  }
0x15: {  	[smem:$0x3FB8] =	sst s0;
	s0 =	simm.s32 @!p2 $0x0  }
0x16: {  	s3 =	sld [smem:$0x3FDB];
	s0 =	simm.s32 @p2 $0x1  }
0x17: {  	s4 =	simm.s32 $0x1BF5;
	[smem:$0x3FBA] =	sst s0  }
0x18: {  	s0 =	sld [smem:$0x3F9D];
	_ =	swait.ge [sflag:s4], $0x0  }
0x19: {  	s7 =	sld [smem:$0x3F9E]  }
0x1a: {  	s8 =	sadd.s32 $0xFFFFE003, lr  }
0x1b: {  	s9 =	sadd.s32 $0xFFFFFEF7, lr;
	s5 =	simm.s32 $0xFFFFFFFF;
	p2 =	slt.u32 s8, $0xFFFFF086  }
0x1c: {  	p1 =	slt.u32 s9, $0xF7A;
	s5 =	simm.s32 @!p2 $0x0  }
0x1d: {  	s5 =	simm.s32 @p1 $0x1;
	p0 =	seq.s32 s7, s2  }
0x1e: {  	s7 =	smul.u32 @!p0 $0xF7A, s2;
	p2 =	seq.s32 @!p0 s5, $0x0  }
0x1f: {  	s9 =	smul.u32 $0xF7A, s1;
	s8 =	simm.s32 @!p0 $0x1BF5;
	p2 =	por !p2, p0  }
0x20: {  	[sflag:s8] =	ssyncset.s32 @!p0 $0xFFFFF086;
	s6 =	sadd.s32 @!p0 s3, s7;
	s7 =	simm.s32 @!p0 $0x108  }
0x21: {  	s3 =	sadd.s32 s3, s9;
	s6 =	sadd.s32 @!p0 $0x88, s6;
	s7 =	simm.s32 @p2 $0x1082  }
0x22: {  	[simem:s7], [sflag:s8] =	dma.local @!p0 [hbm:s6], $0xF7A  }
0x23: {  	s9 =	sor.u32 $0xD0000000, s2;
	s6 =	simm.s32 $0x108;
	_ =	swait.ge @!p0 [sflag:s8], $0x0  }
0x24: {  	s3 =	sadd.s32 $0x88, s3;
	s6 =	simm.s32 @!p1 $0x1082;
	[sflag:s4] =	ssyncset.s32 $0xFFFFF086  }
0x25: {  	[simem:s6], [sflag:s4] =	dma.local [hbm:s3], $0xF7A  }
0x26: {  	[smem:$0x3F9E] =	sst s1;
	(tag) =	ssettag s2;
	_ =	strace s9  }
0x27: {  	s1 =	sld [smem:$0x3FAE]  }
0x28: {  	s2 =	sld [smem:$0x3FAF]  }
0x29: {  	s4 =	sld [smem:$0x3FB1]  }
0x2a: {  	p0 =	seq.s32 s5, $0x0;
	s5 =	sld [smem:$0x3FB2]  }
0x2b: {  	s6 =	sld [smem:$0x3FB3]  }
0x2c: {  	s7 =	sld [smem:$0x3FB4]  }
0x2d: {  	s3 =	simm.s32 $0x108;
	s8 =	sld [smem:$0x3FB5]  }
0x2e: {  	s3 =	simm.s32 @!p0 $0x1082;
	s9 =	sld [smem:$0x3FB6]  }
0x2f: {  	lr =	sadd.s32 s0, s3;
	s0 =	sld [smem:$0x3FAD]  }
0x30: {  	s3 =	sld [smem:$0x3FB0]  }
0x31: {  	[smem:$0x3FB9] =	sst s10  }
0x32: {  	s10 =	sld [smem:$0x3FB7];
	_ =	sdelay $0x3  }
0x33: {  	p0 =	seq.s32 s10, $0x1;
	s10 =	sld [smem:$0x3FB9];
	_ =	sdelay $0x3  }
0x34: {  	[smem:$0x3FB9] =	sst s10  }
0x35: {  	s10 =	sld [smem:$0x3FB8];
	_ =	sdelay $0x3  }
0x36: {  	p1 =	seq.s32 s10, $0x1;
	s10 =	sld [smem:$0x3FB9];
	_ =	sdelay $0x3  }
0x37: {  	[smem:$0x3FB9] =	sst s10  }
0x38: {  	s10 =	sld [smem:$0x3FBA]  }
0x39: {  	_ = 	snop;
	(pc) =	sbr.ind lr, $3  }
0x3a: {  	_ = 	snop  }
0x3b: {  	_ = 	snop  }
0x3c: {  	p2 =	seq.s32 s10, $0x1;
	s10 =	sld [smem:$0x3FB9]  }
0x3d: {  	_ =	shalt  }
0x3e: {  	_ =	shalt  }
0x3f: {  	_ =	shalt  }
0x40: {  	_ =	shalt  }
0x41: {  	_ =	shalt  }
0x42: {  	_ =	shalt  }
0x43: {  	_ =	shalt  }
0x44: {  	_ =	shalt  }
0x45: {  	_ =	shalt  }
0x46: {  	_ =	shalt  }
0x47: {  	_ =	shalt  }
0x48: {  	_ =	shalt  }
0x49: {  	_ =	shalt  }
0x4a: {  	_ =	shalt  }
0x4b: {  	_ =	shalt  }
0x4c: {  	_ =	shalt  }
0x4d: {  	_ =	shalt  }
0x4e: {  	_ =	shalt  }
0x4f: {  	_ =	shalt  }
0x50: {  	_ =	shalt  }
0x51: {  	_ =	shalt  }
0x52: {  	_ =	shalt  }
0x53: {  	_ =	shalt  }
0x54: {  	_ =	shalt  }
0x55: {  	_ =	shalt  }
0x56: {  	_ =	shalt  }
0x57: {  	_ =	shalt  }
0x58: {  	_ =	shalt  }
0x59: {  	_ =	shalt  }
0x5a: {  	_ =	shalt  }
0x5b: {  	_ =	shalt  }
0x5c: {  	_ =	shalt  }
0x5d: {  	_ =	shalt  }
0x5e: {  	_ =	shalt  }
0x5f: {  	_ =	shalt  }
0x60: {  	_ =	shalt  }
0x61: {  	_ =	shalt  }
0x62: {  	_ =	shalt  }
0x63: {  	_ =	shalt  }
0x64: {  	_ =	shalt  }
0x65: {  	_ =	shalt  }
0x66: {  	_ =	shalt  }
0x67: {  	_ =	shalt  }
0x68: {  	_ =	shalt  }
0x69: {  	_ =	shalt  }
0x6a: {  	_ =	shalt  }
0x6b: {  	_ =	shalt  }
0x6c: {  	_ =	shalt  }
0x6d: {  	_ =	shalt  }
0x6e: {  	_ =	shalt  }
0x6f: {  	_ =	shalt  }
0x70: {  	_ =	shalt  }
0x71: {  	_ =	shalt  }
0x72: {  	_ =	shalt  }
0x73: {  	_ =	shalt  }
0x74: {  	_ =	shalt  }
0x75: {  	_ =	shalt  }
0x76: {  	_ =	shalt  }
0x77: {  	_ =	shalt  }
0x78: {  	_ =	shalt  }
0x79: {  	_ =	shalt  }
0x7a: {  	_ =	shalt  }
0x7b: {  	_ =	shalt  }
0x7c: {  	_ =	shalt  }
0x7d: {  	_ =	shalt  }
0x7e: {  	_ =	shalt  }
0x7f: {  	_ =	shalt  }
0x80: {  	_ =	shalt  }
0x81: {  	_ =	shalt  }
0x82: {  	_ =	shalt  }
0x83: {  	_ =	shalt  }
0x84: {  	_ =	shalt  }
0x85: {  	_ =	shalt  }
0x86: {  	_ =	shalt  }
0x87: {  	_ =	shalt  }
.Lfunc_end0:
.L_simem_size_0:
called_computation_lowered:
.L_overlay_start_0:
0x88: {  	s2 =	sld [smem:$0x3FD9]  }
0x89: {  	s3 =	sld [smem:$0x3FFE];
	_ =	sdelay $0x1  }
0x8a: {  	s1 =	srdreg.scid  }
0x8b: {  	s0 =	sand.u32 $0x1, s1  }
0x8c: {  	s17 =	sshll.u32 s0, $0xA;
	s2 =	sadd.s32 s3, s2  }
0x8d: {  	s2 =	sadd.s32 s2, s17  }
0x8e: {  	[smem:$0x3FC5] =	sst s2  }
0x8f: {  	_ = 	snop  }
0x90: {  	s2 =	sld [smem:$0x3FC9]  }
0x91: {  	s18 =	sld [smem:$0x3FD0];
	(tm) =	ssettm $0x1  }
0x92: {  	s4 =	sld [smem:$0x3FFB];
	_ =	sdelay $0x3  }
0x93: {  	_ =	strace s4  }
0x94: {  	s4 =	sld [smem:$0x3FFC];
	_ =	sdelay $0x3  }
0x95: {  	_ =	strace s4  }
0x96: {  	s4 =	sld [smem:$0x3FFD];
	_ =	sdelay $0x3  }
0x97: {  	_ =	strace s4  }
0x98: {  	_ =	strace $0x8FFFFFFF  }
0x99: {  	s19 =	sld [smem:$0x3FDB];
	_ =	sdelay $0x1  }
0x9a: {  	s5 =	simm.s32 $_scs_section_size  }
0x9b: {  	s6 =	simm.s32 $_size__tile_overlayer_lowered;
	s7 =	simm.s32 $_tile_overlayer_lowered  }
0x9c: {  	s22 =	simm.s32 $0x1BFF;
	s21 =	sshll.u32 s7, $0x1;
	s4 =	sadd.s32 s5, s19  }
0x9d: {  	s8 =	simm.s32 $0x0;
	s20 =	sshll.u32 s6, $0x1;
	s6 =	sadd.s32 s21, s4  }
0x9e: {  	[timem:s8], [sflag:s22] =	dma.local [hbm:s6], s20  }
0x9f: {  	_ =	swait.ge [sflag:s22], s20  }
0xa0: {  	s5 =	ssub.s32 $0x0, s20;
	[sflag:s22] =	ssyncset.done $0x0  }
0xa1: {  	[sflag:s22] =	ssyncadd.s32 s5;
	_ =	sdelay $0x1  }
0xa2: {  	s23 =	simm.s32 $0x1B8B  }
0xa3: {  	_ =	swait.ge [sflag:s23], $0x1  }
0xa4: {  	[sflag:s23] =	ssyncset.done $0x0  }
0xa5: {  	s25 =	simm.s32 $0x1B8E;
	s24 =	sld [smem:$0x3FFE];
	[sflag:s23] =	ssyncadd.s32 $0xFFFFFFFF  }
0xa6: {  	s26 =	simm.s32 $execute0_lowered;
	[smem:$0x3FD2] =	sst s25  }
0xa7: {  	s6 =	sshll.u32 s26, $0x1;
	_ =	strace $0x80000046;
	[dreg:$0x1] =	wrdreg $0xFFFFFFFF  }
0xa8: {  	s28 =	simm.s32 $_size_execute0_lowered;
	s4 =	sadd.s32 s4, s6;
	[dreg:$0x0] =	wrdreg $0x0  }
0xa9: {  	s6 =	sshll.u32 s28, $0x1;
	[dreg:$0x2] =	wrdreg s4  }
0xaa: {  	[dreg:$0x3] =	wrdreg s6  }
0xab: {  	[dreg:$0x4] =	wrdreg $0xC0  }
0xac: {  	_ =	task [dreg:s8], $0x5FFFF  }
0xad: {  	[dreg:$0x1] =	wrdreg $0xFFFFFFFF  }
0xae: {  	[dreg:$0x0] =	wrdreg $0x60  }
0xaf: {  	[dreg:$0x2] =	wrdreg s2  }
0xb0: {  	[dreg:$0x3] =	wrdreg s24  }
0xb1: {  	[dreg:$0x4] =	wrdreg s18  }
0xb2: {  	[dreg:$0x5] =	wrdreg $0xB8000  }
0xb3: {  	[dreg:$0x6] =	wrdreg $0x9  }
0xb4: {  	_ =	task.clear_ibuf [dreg:s8], $0x7FFFF;
	_ =	strace $0x90000046  }
0xb5: {  	s29 =	simm.s32 $0x9;
	_ =	strace $0x80000048  }
0xb6: {  	_ =	swait.ge [sflag:s29], $0x1  }
0xb7: {  	[sflag:s29] =	ssyncadd.s32 $0xFFFFFFFF  }
0xb8: {  	_ =	strace $0x90000048  }
0xb9: {  	_ =	sfence  }
0xba: {  	s30 =	sld [smem:$0x0];
	_ =	sdelay $0x2  }
0xbb: {  	s31 =	sshll.u32 s1, $0xD;
	s1 =	sshrl.u32 s1, $0x2  }
0xbc: {  	s3 =	sand.u32 $0x4000, s31;
	s1 =	sadd.s32 s1, s30  }
0xbd: {  	s0 =	sor.u32 s3, s0;
	s1 =	sshll.u32 s1, $0x11  }
0xbe: {  	s0 =	sor.u32 s1, s0  }
0xbf: {  	s0 =	sadd.s32 $0x8F2B, s0  }
0xc0: {  	[sflag:s0] =	ssyncadd.remote.s32 $0x1  }
0xc1: {  	_ =	sfence.sel $0xFFFF  }
0xc2: {  	[dreg:$0x0] =	wrdreg $0xFFFFFFFF;
	(pc) =	sbr.abs _section_cstart, $3  }
0xc3: {  	[dreg:$0x1] =	wrdreg $0xFFFFFFFF  }
0xc4: {  	_ =	task.clear_ibuf [dreg:s8], $0x2FFFF;
	_ =	strace $0x9FFFFFFF  }
0xc5: {  	(tm) =	ssettm $0x7FFFFFFF  }
tec
execute0_lowered:
.L_overlay_start_1:
0x0: {  	(tag) =	ssettag $0x1  }
0x1: {  	s1 =	rddreg [dreg:$0x0]  }
0x2: {  	s0 =	rddreg [dreg:$0x1]  }
0x3: {  	s2 =	rddreg [dreg:$0x2]  }
0x4: {  	s4 =	srdreg.scid;
	s10 =	stileid.u32  }
0x5: {  	s3 =	rddreg [dreg:$0x3];
	s6 =	simm.s32 $0x0;
	s28 =	simm.s32 $0x4  }
0x6: {  	s29 =	simm.s32 $0x2;
	s30 =	simm.s32 $0x2480;
	s31 =	simm.s32 $0x1180  }
0x7: {  	s4 =	sand.u32 $0x1, s4;
	s5 =	sshll.u32 s10, $0x1;
	s20 =	smul.u32 $0x4F000, s10  }
0x8: {  	[smem:$0x7FF] =	sst s6;
	s7 =	sadd.s32 $0x600, s0;
	s26 =	smul.u32 $0x13C00, s10  }
0x9: {  	s5 =	sor.u32 s4, s5;
	s8 =	ssub.s32 $0x2, s4;
	s4 =	smul.u32 $0x13C000, s4  }
0xa: {  	s0 =	sadd.s32 $0xF600, s0;
	_ =	strace $0x80000047;
	s5 =	smul.u32 $0x3C00, s5  }
0xb: {  	s9 =	sshrl.u32 s8, $0x1;
	s6 =	sshrl.u32 s20, $0x2;
	s20 =	simm.s32 $0x1400  }
0xc: {  	s8 =	ssub.s32 s8, s9;
	s6 =	sadd.s32 s6, s3;
	s4 =	sadd.s32 s26, s4  }
0xd: {  	s26 =	simm.s32 $0x8800;
	s5 =	sshrl.u32 s5, $0x3;
	s23 =	sadd.s32 $0x3000, s6  }
0xe: {  	s24 =	sadd.s32 $0x6000, s6;
	s25 =	sadd.s32 $0x9000, s6;
	s11 =	sadd.s32 $0xC000, s6  }
0xf: {  	s12 =	sadd.s32 $0xF000, s6;
	s13 =	sadd.s32 $0x12000, s6;
	[dreg:$0x7] =	wrdreg s23  }
0x10: {  	s4 =	sshrl.u32 s4, $0x3;
	s19 =	smax.u32 s8, $0x1;
	[dreg:$0x8] =	wrdreg s24  }
0x11: {  	s21 =	sadd.s32 s7, s5;
	s22 =	sadd.s32 s0, s5;
	[dreg:$0x9] =	wrdreg s25  }
0x12: {  	s15 =	sadd.s32 $0x280, s5;
	s5 =	sadd.s32 $0x500, s5;
	s18 =	sadd.s32 s2, s4  }
0x13: {  	s23 =	simm.s32 $0x2800;
	s24 =	simm.s32 $0x80;
	s25 =	simm.s32 $0x5800  }
0x14: {  	s2 =	simm.s32 $0x3;
	s4 =	simm.s32 $0x2580;
	[dreg:$0x5] =	wrdreg s21  }
0x15: {  	[dreg:$0x6] =	wrdreg s22;
	s14 =	sadd.s32 s7, s15;
	s15 =	sadd.s32 s0, s15  }
0x16: {  	s16 =	sadd.s32 s7, s5;
	s17 =	sadd.s32 s0, s5;
	s21 =	simm.s32 $0x1  }
0x17: {  	v0 =	vimm.f32 $0.0e+00;
	s22 =	simm.s32 $0x60;
	s0 =	simm.s32 $0x2500;
	s5 =	simm.s32 $0x0  }
.LBB2_1:
0x18: {  	s7 =	simm.s32 $0x0;
	s8 =	rddreg [dreg:$0x5]  }
0x19: {  	[tilespmem:s7], [sflag:$0x1] =	stream.linear.gather [hbm4b:s8+s7], $0x1200, $0x38;
	[tilespmem:$0x1F400] =	vst v63  }
0x1a: {  	s10 =	rddreg [dreg:$0x6]  }
0x1b: {  	[tilespmem:s20], [sflag:$0x1] =	stream.linear.gather [hbm4b:s10+s7], $0x1200, $0x38;
	[tilespmem:$0x1F400] =	vst v63  }
0x1c: {  	s8 =	simm.s32 $0x200;
	s7 =	simm.s32 $0x0  }
.LBB2_2:
0x1d: {  	p0 =	sne.s32 s8, $0xBE00;
	[tilespmem:s7+$0x8870] =	vst v0  }
0x1e: {  	[tilespmem:s7+$0x8800] =	vst v0  }
0x1f: {  	[tilespmem:s7+$0x8810] =	vst v0  }
.Ltmp0:
0x20: {  	[tilespmem:s7+$0x8820] =	vst v0;
	(pc) =	sbr.rel @p0 .LBB2_2-.Ltmp0, $4  }
0x21: {  	[tilespmem:s7+$0x8830] =	vst v0  }
0x22: {  	[tilespmem:s7+$0x8840] =	vst v0  }
0x23: {  	[tilespmem:s7+$0x8850] =	vst v0  }
0x24: {  	[tilespmem:s7+$0x8860] =	vst v0;
	s7 =	sshra.s32 s8, $0x2;
	s8 =	sadd.s32 $0x200, s8  }
0x25: {  	[tilespmem:s7+$0x8870] =	vst v0  }
0x26: {  	[tilespmem:s7+$0x8800] =	vst v0  }
0x27: {  	[tilespmem:s7+$0x8810] =	vst v0  }
0x28: {  	[tilespmem:s7+$0x8820] =	vst v0  }
0x29: {  	[tilespmem:s7+$0x8830] =	vst v0  }
0x2a: {  	[tilespmem:s7+$0x8840] =	vst v0  }
0x2b: {  	[tilespmem:s7+$0x8850] =	vst v0  }
0x2c: {  	[tilespmem:s7+$0x8860] =	vst v0  }
0x2d: {  	_ =	swait.ge [sflag:s21], $0x1200  }
0x2e: {  	[sflag:s21] =	ssyncset.done $0x0  }
0x2f: {  	[sflag:s21] =	ssyncadd.s32 $0xFFFFEE00  }
0x30: {  	_ =	swait.ge [sflag:s21], $0x1200  }
0x31: {  	[sflag:s21] =	ssyncset.done $0x0  }
0x32: {  	s7 =	simm.s32 $0x0;
	[sflag:s21] =	ssyncadd.s32 $0xFFFFEE00  }
0x33: {  	[tilespmem:s23], [sflag:$0x2] =	stream.indirect.gather [hbm4b:s1+s22], $0x80, s7, s22, $0xb8;
	[tilespmem:$0x1F400] =	vst v63  }
0x34: {  	_ = 	snop  }
0x35: {  	[tilespmem:s25], [sflag:$0x2] =	stream.indirect.gather [hbm4b:s1+s22], $0x80, s24, s22, $0xb8;
	[tilespmem:$0x1F400] =	vst v63  }
0x36: {  	_ = 	snop  }
0x37: {  	[spmem:s6] =	stream.linear.scatter [tilespmem:s26], [sflag:$0x4], $0x3000, $0x38;
	[tilespmem:$0x1F400] =	vst v63  }
0x38: {  	_ =	swait.ge [sflag:s28], $0x3000  }
0x39: {  	[sflag:s28] =	ssyncset.done $0x0  }
0x3a: {  	s8 =	rddreg [dreg:$0x7];
	[sflag:s28] =	ssyncadd.s32 $0xFFFFD000  }
0x3b: {  	[spmem:s8] =	stream.linear.scatter [tilespmem:s26], [sflag:$0x4], $0x3000, $0x38;
	[tilespmem:$0x1F400] =	vst v63  }
0x3c: {  	_ =	swait.ge [sflag:s28], $0x3000  }
0x3d: {  	[sflag:s28] =	ssyncset.done $0x0  }
0x3e: {  	s10 =	rddreg [dreg:$0x8];
	[sflag:s28] =	ssyncadd.s32 $0xFFFFD000  }
0x3f: {  	[spmem:s10] =	stream.linear.scatter [tilespmem:s26], [sflag:$0x4], $0x3000, $0x38;
	[tilespmem:$0x1F400] =	vst v63  }
0x40: {  	_ =	swait.ge [sflag:s28], $0x3000  }
0x41: {  	[sflag:s28] =	ssyncset.done $0x0  }
0x42: {  	s9 =	rddreg [dreg:$0x9];
	[sflag:s28] =	ssyncadd.s32 $0xFFFFD000  }
0x43: {  	[spmem:s9] =	stream.linear.scatter [tilespmem:s26], [sflag:$0x4], $0x3000, $0x38;
	[tilespmem:$0x1F400] =	vst v63  }
0x44: {  	_ =	swait.ge [sflag:s28], $0x3000  }
0x45: {  	[sflag:s28] =	ssyncset.done $0x0  }
0x46: {  	[sflag:s28] =	ssyncadd.s32 $0xFFFFD000  }
0x47: {  	[spmem:s11] =	stream.linear.scatter [tilespmem:s26], [sflag:$0x4], $0x3000, $0x38;
	[tilespmem:$0x1F400] =	vst v63  }
0x48: {  	_ =	swait.ge [sflag:s28], $0x3000  }
0x49: {  	[sflag:s28] =	ssyncset.done $0x0  }
0x4a: {  	[sflag:s28] =	ssyncadd.s32 $0xFFFFD000  }
0x4b: {  	[spmem:s12] =	stream.linear.scatter [tilespmem:s26], [sflag:$0x4], $0x3000, $0x38;
	[tilespmem:$0x1F400] =	vst v63  }
0x4c: {  	_ =	swait.ge [sflag:s28], $0x3000  }
0x4d: {  	[sflag:s28] =	ssyncset.done $0x0  }
0x4e: {  	[sflag:s28] =	ssyncadd.s32 $0xFFFFD000  }
0x4f: {  	[spmem:s13] =	stream.linear.scatter [tilespmem:s26], [sflag:$0x4], $0x1C00, $0x38;
	[tilespmem:$0x1F400] =	vst v63  }
0x50: {  	_ =	swait.ge [sflag:s28], $0x1C00  }
0x51: {  	[sflag:s28] =	ssyncset.done $0x0  }
0x52: {  	[sflag:s28] =	ssyncadd.s32 $0xFFFFE400  }
0x53: {  	[bflag:$0x0] =	sbarrier.arrive $0xFFFF  }
0x54: {  	_ =	swait.ge [sflag:s29], $0x3000  }
0x55: {  	[sflag:s29] =	ssyncset.done $0x0  }
0x56: {  	[sflag:s29] =	ssyncadd.s32 $0xFFFFD000  }
0x57: {  	[spmem:s3] =	stream.indirect.scatter.add.f32 [tilespmem:s23], [sflag:$0x3], $0x80, s20, s22, $0xb8;
	[tilespmem:$0x1F400] =	vst v63  }
0x58: {  	s10 =	simm.s32 $0x100  }
0x59: {  	[tilespmem:s26], [sflag:$0x2] =	stream.indirect.gather [hbm4b:s1+s22], $0x80, s10, s22, $0xb8;
	[tilespmem:$0x1F400] =	vst v63  }
0x5a: {  	_ =	swait.ge [sflag:s29], $0x3000  }
0x5b: {  	[sflag:s29] =	ssyncset.done $0x0  }
0x5c: {  	s9 =	simm.s32 $0x1480;
	[sflag:s29] =	ssyncadd.s32 $0xFFFFD000  }
0x5d: {  	[spmem:s3] =	stream.indirect.scatter.add.f32 [tilespmem:s25], [sflag:$0x3], $0x80, s9, s22, $0xb8;
	[tilespmem:$0x1F400] =	vst v63  }
0x5e: {  	_ =	swait.ge [sflag:s2], $0x3000  }
0x5f: {  	[sflag:s2] =	ssyncset.done $0x0  }
0x60: {  	s10 =	simm.s32 $0x180;
	[sflag:s2] =	ssyncadd.s32 $0xFFFFD000  }
0x61: {  	[tilespmem:s23], [sflag:$0x2] =	stream.indirect.gather [hbm4b:s1+s22], $0x80, s10, s22, $0xb8;
	[tilespmem:$0x1F400] =	vst v63  }
0x62: {  	_ =	swait.ge [sflag:s29], $0x3000  }
0x63: {  	[sflag:s29] =	ssyncset.done $0x0  }
0x64: {  	s9 =	simm.s32 $0x1500;
	[sflag:s29] =	ssyncadd.s32 $0xFFFFD000  }
0x65: {  	[spmem:s3] =	stream.indirect.scatter.add.f32 [tilespmem:s26], [sflag:$0x3], $0x80, s9, s22, $0xb8;
	[tilespmem:$0x1F400] =	vst v63  }
0x66: {  	_ =	swait.ge [sflag:s2], $0x3000  }
0x67: {  	[sflag:s2] =	ssyncset.done $0x0  }
0x68: {  	s10 =	simm.s32 $0x200;
	[sflag:s2] =	ssyncadd.s32 $0xFFFFD000  }
0x69: {  	[tilespmem:s25], [sflag:$0x2] =	stream.indirect.gather [hbm4b:s1+s22], $0x80, s10, s22, $0xb8;
	[tilespmem:$0x1F400] =	vst v63  }
.LBB2_4:
0x6a: {  	_ =	swait.ge [sflag:s29], $0x3000  }
0x6b: {  	s8 =	sshra.s32 s7, $0x2;
	[sflag:s29] =	ssyncset.done $0x0  }
0x6c: {  	s9 =	sadd.s32 $0x1580, s8;
	[sflag:s29] =	ssyncadd.s32 $0xFFFFD000  }
0x6d: {  	[spmem:s3] =	stream.indirect.scatter.add.f32 [tilespmem:s23], [sflag:$0x3], $0x80, s9, s22, $0xb8;
	[tilespmem:$0x1F400] =	vst v63  }
0x6e: {  	_ =	swait.ge [sflag:s2], $0x3000  }
0x6f: {  	[sflag:s2] =	ssyncset.done $0x0  }
0x70: {  	s10 =	sadd.s32 $0x280, s8;
	[sflag:s2] =	ssyncadd.s32 $0xFFFFD000  }
0x71: {  	[tilespmem:s26], [sflag:$0x2] =	stream.indirect.gather [hbm4b:s1+s22], $0x80, s10, s22, $0xb8;
	[tilespmem:$0x1F400] =	vst v63  }
0x72: {  	_ =	swait.ge [sflag:s29], $0x3000  }
0x73: {  	p0 =	seq.s32 s7, $0x3C00;
	[sflag:s29] =	ssyncset.done $0x0  }
.Ltmp1:
0x74: {  	s10 =	sadd.s32 $0x1600, s8;
	[sflag:s29] =	ssyncadd.s32 $0xFFFFD000;
	(pc) =	sbr.rel @p0 .LBB2_6-.Ltmp1, $4  }
0x75: {  	[spmem:s3] =	stream.indirect.scatter.add.f32 [tilespmem:s25], [sflag:$0x3], $0x80, s10, s22, $0xb8;
	[tilespmem:$0x1F400] =	vst v63  }
0x76: {  	_ =	swait.ge [sflag:s2], $0x3000  }
0x77: {  	[sflag:s2] =	ssyncset.done $0x0  }
0x78: {  	s9 =	sadd.s32 $0x1680, s8;
	[sflag:s2] =	ssyncadd.s32 $0xFFFFD000  }
0x79: {  	s10 =	sadd.s32 $0x300, s8  }
0x7a: {  	[tilespmem:s23], [sflag:$0x2] =	stream.indirect.gather [hbm4b:s1+s22], $0x80, s10, s22, $0xb8;
	[tilespmem:$0x1F400] =	vst v63  }
0x7b: {  	_ =	swait.ge [sflag:s29], $0x3000  }
0x7c: {  	[sflag:s29] =	ssyncset.done $0x0  }
0x7d: {  	[sflag:s29] =	ssyncadd.s32 $0xFFFFD000  }
0x7e: {  	[spmem:s3] =	stream.indirect.scatter.add.f32 [tilespmem:s26], [sflag:$0x3], $0x80, s9, s22, $0xb8;
	[tilespmem:$0x1F400] =	vst v63  }
.Ltmp2:
0x7f: {  	_ = 	snop;
	(pc) =	sbr.rel .LBB2_4-.Ltmp2, $4  }
0x80: {  	_ =	swait.ge [sflag:s2], $0x3000  }
0x81: {  	[sflag:s2] =	ssyncset.done $0x0  }
0x82: {  	s7 =	sadd.s32 $0x600, s7;
	s10 =	sadd.s32 $0x380, s8;
	[sflag:s2] =	ssyncadd.s32 $0xFFFFD000  }
0x83: {  	[tilespmem:s25], [sflag:$0x2] =	stream.indirect.gather [hbm4b:s1+s22], $0x80, s10, s22, $0xb8;
	[tilespmem:$0x1F400] =	vst v63  }
.LBB2_6:
0x84: {  	_ =	swait.ge [sflag:s29], $0x3000  }
0x85: {  	[sflag:s29] =	ssyncset.done $0x0  }
0x86: {  	[sflag:s29] =	ssyncadd.s32 $0xFFFFD000  }
0x87: {  	[spmem:s3] =	stream.indirect.scatter.add.f32 [tilespmem:s26], [sflag:$0x3], $0x80, s9, s22, $0xb8;
	[tilespmem:$0x1F400] =	vst v63  }
0x88: {  	_ =	swait.ge [sflag:s2], $0x3000  }
0x89: {  	[sflag:s2] =	ssyncset.done $0x0  }
0x8a: {  	s7 =	simm.s32 $0x0;
	[sflag:s2] =	ssyncadd.s32 $0xFFFFD000  }
0x8b: {  	[tilespmem:s7], [sflag:$0x4] =	stream.linear.gather [hbm4b:s14+s7], $0x1200, $0x38;
	[tilespmem:$0x1F400] =	vst v63  }
0x8c: {  	_ =	swait.ge [sflag:s28], $0x1200  }
0x8d: {  	[sflag:s28] =	ssyncset.done $0x0  }
0x8e: {  	[sflag:s28] =	ssyncadd.s32 $0xFFFFEE00  }
0x8f: {  	[tilespmem:s20], [sflag:$0x4] =	stream.linear.gather [hbm4b:s15+s7], $0x1200, $0x38;
	[tilespmem:$0x1F400] =	vst v63  }
0x90: {  	_ =	swait.ge [sflag:s28], $0x1200  }
0x91: {  	[sflag:s28] =	ssyncset.done $0x0  }
0x92: {  	[sflag:s28] =	ssyncadd.s32 $0xFFFFEE00  }
0x93: {  	[tilespmem:s23], [sflag:$0x2] =	stream.indirect.gather [hbm4b:s1+s22], $0x80, s7, s22, $0xb8;
	[tilespmem:$0x1F400] =	vst v63  }
0x94: {  	_ = 	snop  }
0x95: {  	[tilespmem:s25], [sflag:$0x2] =	stream.indirect.gather [hbm4b:s1+s22], $0x80, s24, s22, $0xb8;
	[tilespmem:$0x1F400] =	vst v63  }
0x96: {  	_ =	swait.ge [sflag:s29], $0x3000  }
0x97: {  	[sflag:s29] =	ssyncset.done $0x0  }
0x98: {  	s9 =	simm.s32 $0x1400;
	[sflag:s29] =	ssyncadd.s32 $0xFFFFD000  }
0x99: {  	[spmem:s3] =	stream.indirect.scatter.add.f32 [tilespmem:s23], [sflag:$0x3], $0x80, s9, s22, $0xb8;
	[tilespmem:$0x1F400] =	vst v63  }
0x9a: {  	_ =	swait.ge [sflag:s2], $0x3000  }
0x9b: {  	[sflag:s2] =	ssyncset.done $0x0  }
0x9c: {  	s10 =	simm.s32 $0x100;
	[sflag:s2] =	ssyncadd.s32 $0xFFFFD000  }
0x9d: {  	[tilespmem:s26], [sflag:$0x2] =	stream.indirect.gather [hbm4b:s1+s22], $0x80, s10, s22, $0xb8;
	[tilespmem:$0x1F400] =	vst v63  }
0x9e: {  	_ =	swait.ge [sflag:s29], $0x3000  }
0x9f: {  	[sflag:s29] =	ssyncset.done $0x0  }
0xa0: {  	s8 =	simm.s32 $0x1480;
	[sflag:s29] =	ssyncadd.s32 $0xFFFFD000  }
0xa1: {  	[spmem:s3] =	stream.indirect.scatter.add.f32 [tilespmem:s25], [sflag:$0x3], $0x80, s8, s22, $0xb8;
	[tilespmem:$0x1F400] =	vst v63  }
0xa2: {  	_ =	swait.ge [sflag:s2], $0x3000  }
0xa3: {  	[sflag:s2] =	ssyncset.done $0x0  }
0xa4: {  	s9 =	simm.s32 $0x180;
	[sflag:s2] =	ssyncadd.s32 $0xFFFFD000  }
0xa5: {  	[tilespmem:s23], [sflag:$0x2] =	stream.indirect.gather [hbm4b:s1+s22], $0x80, s9, s22, $0xb8;
	[tilespmem:$0x1F400] =	vst v63  }
0xa6: {  	_ =	swait.ge [sflag:s29], $0x3000  }
0xa7: {  	[sflag:s29] =	ssyncset.done $0x0  }
0xa8: {  	s10 =	simm.s32 $0x1500;
	[sflag:s29] =	ssyncadd.s32 $0xFFFFD000  }
0xa9: {  	[spmem:s3] =	stream.indirect.scatter.add.f32 [tilespmem:s26], [sflag:$0x3], $0x80, s10, s22, $0xb8;
	[tilespmem:$0x1F400] =	vst v63  }
0xaa: {  	_ =	swait.ge [sflag:s2], $0x3000  }
0xab: {  	[sflag:s2] =	ssyncset.done $0x0  }
0xac: {  	s7 =	simm.s32 $0x600;
	s8 =	simm.s32 $0x200;
	[sflag:s2] =	ssyncadd.s32 $0xFFFFD000  }
.LBB2_7:
0xad: {  	[tilespmem:s25], [sflag:$0x2] =	stream.indirect.gather [hbm4b:s1+s22], $0x80, s8, s22, $0xb8;
	[tilespmem:$0x1F400] =	vst v63  }
0xae: {  	s8 =	smov.u32 s7  }
0xaf: {  	p0 =	sne.s32 s7, $0x3C00;
	s7 =	sadd.s32 $0x600, s7;
	_ =	swait.ge [sflag:s29], $0x3000  }
0xb0: {  	s8 =	sshra.s32 s8, $0x2;
	[sflag:s29] =	ssyncset.done $0x0  }
0xb1: {  	s9 =	sadd.s32 $0x1400, s8;
	[sflag:s29] =	ssyncadd.s32 $0xFFFFD000  }
0xb2: {  	[spmem:s3] =	stream.indirect.scatter.add.f32 [tilespmem:s23], [sflag:$0x3], $0x80, s9, s22, $0xb8;
	[tilespmem:$0x1F400] =	vst v63  }
0xb3: {  	_ =	swait.ge [sflag:s2], $0x3000  }
0xb4: {  	[sflag:s2] =	ssyncset.done $0x0  }
0xb5: {  	s9 =	sadd.s32 $0x100, s8;
	[sflag:s2] =	ssyncadd.s32 $0xFFFFD000  }
0xb6: {  	[tilespmem:s26], [sflag:$0x2] =	stream.indirect.gather [hbm4b:s1+s22], $0x80, s9, s22, $0xb8;
	[tilespmem:$0x1F400] =	vst v63  }
0xb7: {  	_ =	swait.ge [sflag:s29], $0x3000  }
0xb8: {  	[sflag:s29] =	ssyncset.done $0x0  }
0xb9: {  	s9 =	sadd.s32 $0x1480, s8;
	[sflag:s29] =	ssyncadd.s32 $0xFFFFD000  }
0xba: {  	[spmem:s3] =	stream.indirect.scatter.add.f32 [tilespmem:s25], [sflag:$0x3], $0x80, s9, s22, $0xb8;
	[tilespmem:$0x1F400] =	vst v63  }
0xbb: {  	_ =	swait.ge [sflag:s2], $0x3000  }
0xbc: {  	[sflag:s2] =	ssyncset.done $0x0  }
0xbd: {  	s9 =	sadd.s32 $0x180, s8;
	[sflag:s2] =	ssyncadd.s32 $0xFFFFD000  }
0xbe: {  	[tilespmem:s23], [sflag:$0x2] =	stream.indirect.gather [hbm4b:s1+s22], $0x80, s9, s22, $0xb8;
	[tilespmem:$0x1F400] =	vst v63  }
0xbf: {  	_ =	swait.ge [sflag:s29], $0x3000  }
0xc0: {  	[sflag:s29] =	ssyncset.done $0x0  }
.Ltmp3:
0xc1: {  	s9 =	sadd.s32 $0x1500, s8;
	[sflag:s29] =	ssyncadd.s32 $0xFFFFD000;
	(pc) =	sbr.rel @p0 .LBB2_7-.Ltmp3, $4  }
0xc2: {  	[spmem:s3] =	stream.indirect.scatter.add.f32 [tilespmem:s26], [sflag:$0x3], $0x80, s9, s22, $0xb8;
	[tilespmem:$0x1F400] =	vst v63  }
0xc3: {  	_ =	swait.ge [sflag:s2], $0x3000  }
0xc4: {  	[sflag:s2] =	ssyncset.done $0x0  }
0xc5: {  	s8 =	sadd.s32 $0x200, s8;
	[sflag:s2] =	ssyncadd.s32 $0xFFFFD000  }
0xc6: {  	[tilespmem:s25], [sflag:$0x2] =	stream.indirect.gather [hbm4b:s1+s22], $0x80, s8, s22, $0xb8;
	[tilespmem:$0x1F400] =	vst v63  }
0xc7: {  	_ =	swait.ge [sflag:s29], $0x3000  }
0xc8: {  	[sflag:s29] =	ssyncset.done $0x0  }
0xc9: {  	[sflag:s29] =	ssyncadd.s32 $0xFFFFD000  }
0xca: {  	[spmem:s3] =	stream.indirect.scatter.add.f32 [tilespmem:s23], [sflag:$0x3], $0x80, s30, s22, $0xb8;
	[tilespmem:$0x1F400] =	vst v63  }
0xcb: {  	_ =	swait.ge [sflag:s2], $0x3000  }
0xcc: {  	[sflag:s2] =	ssyncset.done $0x0  }
0xcd: {  	[sflag:s2] =	ssyncadd.s32 $0xFFFFD000  }
0xce: {  	[tilespmem:s26], [sflag:$0x2] =	stream.indirect.gather [hbm4b:s1+s22], $0x80, s31, s22, $0xb8;
	[tilespmem:$0x1F400] =	vst v63  }
0xcf: {  	_ =	swait.ge [sflag:s29], $0x3000  }
0xd0: {  	[sflag:s29] =	ssyncset.done $0x0  }
0xd1: {  	[sflag:s29] =	ssyncadd.s32 $0xFFFFD000  }
0xd2: {  	[spmem:s3] =	stream.indirect.scatter.add.f32 [tilespmem:s25], [sflag:$0x3], $0x80, s0, s22, $0xb8;
	[tilespmem:$0x1F400] =	vst v63  }
0xd3: {  	_ =	swait.ge [sflag:s2], $0x3000  }
0xd4: {  	[sflag:s2] =	ssyncset.done $0x0  }
0xd5: {  	[sflag:s2] =	ssyncadd.s32 $0xFFFFD000  }
0xd6: {  	_ =	swait.ge [sflag:s29], $0x3000  }
0xd7: {  	[sflag:s29] =	ssyncset.done $0x0  }
0xd8: {  	[sflag:s29] =	ssyncadd.s32 $0xFFFFD000  }
0xd9: {  	[spmem:s3] =	stream.indirect.scatter.add.f32 [tilespmem:s26], [sflag:$0x3], $0x80, s4, s22, $0xb8;
	[tilespmem:$0x1F400] =	vst v63  }
0xda: {  	_ =	swait.ge [sflag:s2], $0x3000  }
0xdb: {  	[sflag:s2] =	ssyncset.done $0x0  }
0xdc: {  	s7 =	simm.s32 $0x0;
	[sflag:s2] =	ssyncadd.s32 $0xFFFFD000  }
0xdd: {  	[tilespmem:s7], [sflag:$0x4] =	stream.linear.gather [hbm4b:s16+s7], $0x1200, $0x38;
	[tilespmem:$0x1F400] =	vst v63  }
0xde: {  	_ =	swait.ge [sflag:s28], $0x1200  }
0xdf: {  	[sflag:s28] =	ssyncset.done $0x0  }
0xe0: {  	[sflag:s28] =	ssyncadd.s32 $0xFFFFEE00  }
0xe1: {  	[tilespmem:s20], [sflag:$0x4] =	stream.linear.gather [hbm4b:s17+s7], $0x1200, $0x38;
	[tilespmem:$0x1F400] =	vst v63  }
0xe2: {  	_ =	swait.ge [sflag:s28], $0x1200  }
0xe3: {  	[sflag:s28] =	ssyncset.done $0x0  }
0xe4: {  	[sflag:s28] =	ssyncadd.s32 $0xFFFFEE00  }
0xe5: {  	[tilespmem:s23], [sflag:$0x2] =	stream.indirect.gather [hbm4b:s1+s22], $0x80, s7, s22, $0xb8;
	[tilespmem:$0x1F400] =	vst v63  }
0xe6: {  	_ = 	snop  }
0xe7: {  	[tilespmem:s25], [sflag:$0x2] =	stream.indirect.gather [hbm4b:s1+s22], $0x80, s24, s22, $0xb8;
	[tilespmem:$0x1F400] =	vst v63  }
0xe8: {  	_ =	swait.ge [sflag:s29], $0x3000  }
0xe9: {  	[sflag:s29] =	ssyncset.done $0x0  }
0xea: {  	s9 =	simm.s32 $0x1400;
	[sflag:s29] =	ssyncadd.s32 $0xFFFFD000  }
0xeb: {  	[spmem:s3] =	stream.indirect.scatter.add.f32 [tilespmem:s23], [sflag:$0x3], $0x80, s9, s22, $0xb8;
	[tilespmem:$0x1F400] =	vst v63  }
0xec: {  	_ =	swait.ge [sflag:s2], $0x3000  }
0xed: {  	[sflag:s2] =	ssyncset.done $0x0  }
0xee: {  	s10 =	simm.s32 $0x100;
	[sflag:s2] =	ssyncadd.s32 $0xFFFFD000  }
0xef: {  	[tilespmem:s26], [sflag:$0x2] =	stream.indirect.gather [hbm4b:s1+s22], $0x80, s10, s22, $0xb8;
	[tilespmem:$0x1F400] =	vst v63  }
0xf0: {  	_ =	swait.ge [sflag:s29], $0x3000  }
0xf1: {  	[sflag:s29] =	ssyncset.done $0x0  }
0xf2: {  	s8 =	simm.s32 $0x1480;
	[sflag:s29] =	ssyncadd.s32 $0xFFFFD000  }
0xf3: {  	[spmem:s3] =	stream.indirect.scatter.add.f32 [tilespmem:s25], [sflag:$0x3], $0x80, s8, s22, $0xb8;
	[tilespmem:$0x1F400] =	vst v63  }
0xf4: {  	_ =	swait.ge [sflag:s2], $0x3000  }
0xf5: {  	[sflag:s2] =	ssyncset.done $0x0  }
0xf6: {  	s9 =	simm.s32 $0x180;
	[sflag:s2] =	ssyncadd.s32 $0xFFFFD000  }
0xf7: {  	[tilespmem:s23], [sflag:$0x2] =	stream.indirect.gather [hbm4b:s1+s22], $0x80, s9, s22, $0xb8;
	[tilespmem:$0x1F400] =	vst v63  }
0xf8: {  	_ =	swait.ge [sflag:s29], $0x3000  }
0xf9: {  	[sflag:s29] =	ssyncset.done $0x0  }
0xfa: {  	s10 =	simm.s32 $0x1500;
	[sflag:s29] =	ssyncadd.s32 $0xFFFFD000  }
0xfb: {  	[spmem:s3] =	stream.indirect.scatter.add.f32 [tilespmem:s26], [sflag:$0x3], $0x80, s10, s22, $0xb8;
	[tilespmem:$0x1F400] =	vst v63  }
0xfc: {  	_ =	swait.ge [sflag:s2], $0x3000  }
0xfd: {  	[sflag:s2] =	ssyncset.done $0x0  }
0xfe: {  	s7 =	simm.s32 $0x600;
	s8 =	simm.s32 $0x200;
	[sflag:s2] =	ssyncadd.s32 $0xFFFFD000  }
.LBB2_9:
0xff: {  	[tilespmem:s25], [sflag:$0x2] =	stream.indirect.gather [hbm4b:s1+s22], $0x80, s8, s22, $0xb8;
	[tilespmem:$0x1F400] =	vst v63  }
0x100: {  	s8 =	smov.u32 s7  }
0x101: {  	p0 =	sne.s32 s7, $0x3C00;
	s7 =	sadd.s32 $0x600, s7;
	_ =	swait.ge [sflag:s29], $0x3000  }
0x102: {  	s8 =	sshra.s32 s8, $0x2;
	[sflag:s29] =	ssyncset.done $0x0  }
0x103: {  	s9 =	sadd.s32 $0x1400, s8;
	[sflag:s29] =	ssyncadd.s32 $0xFFFFD000  }
0x104: {  	[spmem:s3] =	stream.indirect.scatter.add.f32 [tilespmem:s23], [sflag:$0x3], $0x80, s9, s22, $0xb8;
	[tilespmem:$0x1F400] =	vst v63  }
0x105: {  	_ =	swait.ge [sflag:s2], $0x3000  }
0x106: {  	[sflag:s2] =	ssyncset.done $0x0  }
0x107: {  	s9 =	sadd.s32 $0x100, s8;
	[sflag:s2] =	ssyncadd.s32 $0xFFFFD000  }
0x108: {  	[tilespmem:s26], [sflag:$0x2] =	stream.indirect.gather [hbm4b:s1+s22], $0x80, s9, s22, $0xb8;
	[tilespmem:$0x1F400] =	vst v63  }
0x109: {  	_ =	swait.ge [sflag:s29], $0x3000  }
0x10a: {  	[sflag:s29] =	ssyncset.done $0x0  }
0x10b: {  	s9 =	sadd.s32 $0x1480, s8;
	[sflag:s29] =	ssyncadd.s32 $0xFFFFD000  }
0x10c: {  	[spmem:s3] =	stream.indirect.scatter.add.f32 [tilespmem:s25], [sflag:$0x3], $0x80, s9, s22, $0xb8;
	[tilespmem:$0x1F400] =	vst v63  }
0x10d: {  	_ =	swait.ge [sflag:s2], $0x3000  }
0x10e: {  	[sflag:s2] =	ssyncset.done $0x0  }
0x10f: {  	s9 =	sadd.s32 $0x180, s8;
	[sflag:s2] =	ssyncadd.s32 $0xFFFFD000  }
0x110: {  	[tilespmem:s23], [sflag:$0x2] =	stream.indirect.gather [hbm4b:s1+s22], $0x80, s9, s22, $0xb8;
	[tilespmem:$0x1F400] =	vst v63  }
0x111: {  	_ =	swait.ge [sflag:s29], $0x3000  }
0x112: {  	[sflag:s29] =	ssyncset.done $0x0  }
.Ltmp4:
0x113: {  	s9 =	sadd.s32 $0x1500, s8;
	[sflag:s29] =	ssyncadd.s32 $0xFFFFD000;
	(pc) =	sbr.rel @p0 .LBB2_9-.Ltmp4, $4  }
0x114: {  	[spmem:s3] =	stream.indirect.scatter.add.f32 [tilespmem:s26], [sflag:$0x3], $0x80, s9, s22, $0xb8;
	[tilespmem:$0x1F400] =	vst v63  }
0x115: {  	_ =	swait.ge [sflag:s2], $0x3000  }
0x116: {  	[sflag:s2] =	ssyncset.done $0x0  }
0x117: {  	s8 =	sadd.s32 $0x200, s8;
	[sflag:s2] =	ssyncadd.s32 $0xFFFFD000  }
0x118: {  	[tilespmem:s25], [sflag:$0x2] =	stream.indirect.gather [hbm4b:s1+s22], $0x80, s8, s22, $0xb8;
	[tilespmem:$0x1F400] =	vst v63  }
0x119: {  	_ =	swait.ge [sflag:s29], $0x3000  }
0x11a: {  	[sflag:s29] =	ssyncset.done $0x0  }
0x11b: {  	[sflag:s29] =	ssyncadd.s32 $0xFFFFD000  }
0x11c: {  	[spmem:s3] =	stream.indirect.scatter.add.f32 [tilespmem:s23], [sflag:$0x3], $0x80, s30, s22, $0xb8;
	[tilespmem:$0x1F400] =	vst v63  }
0x11d: {  	_ =	swait.ge [sflag:s2], $0x3000  }
0x11e: {  	[sflag:s2] =	ssyncset.done $0x0  }
0x11f: {  	[sflag:s2] =	ssyncadd.s32 $0xFFFFD000  }
0x120: {  	[tilespmem:s26], [sflag:$0x2] =	stream.indirect.gather [hbm4b:s1+s22], $0x80, s31, s22, $0xb8;
	[tilespmem:$0x1F400] =	vst v63  }
0x121: {  	_ =	swait.ge [sflag:s29], $0x3000  }
0x122: {  	[sflag:s29] =	ssyncset.done $0x0  }
0x123: {  	[sflag:s29] =	ssyncadd.s32 $0xFFFFD000  }
0x124: {  	[spmem:s3] =	stream.indirect.scatter.add.f32 [tilespmem:s25], [sflag:$0x3], $0x80, s0, s22, $0xb8;
	[tilespmem:$0x1F400] =	vst v63  }
0x125: {  	_ =	swait.ge [sflag:s2], $0x3000  }
0x126: {  	[sflag:s2] =	ssyncset.done $0x0  }
0x127: {  	[sflag:s2] =	ssyncadd.s32 $0xFFFFD000  }
0x128: {  	_ =	swait.ge [sflag:s29], $0x3000  }
0x129: {  	[sflag:s29] =	ssyncset.done $0x0  }
0x12a: {  	[sflag:s29] =	ssyncadd.s32 $0xFFFFD000  }
0x12b: {  	[spmem:s3] =	stream.indirect.scatter.add.f32 [tilespmem:s26], [sflag:$0x3], $0x80, s4, s22, $0xb8;
	[tilespmem:$0x1F400] =	vst v63  }
0x12c: {  	_ =	swait.ge [sflag:s2], $0x3000  }
0x12d: {  	[sflag:s2] =	ssyncset.done $0x0  }
0x12e: {  	[sflag:s2] =	ssyncadd.s32 $0xFFFFD000  }
0x12f: {  	s7 =	stileid.u32;
	_ =	swait.ge [sflag:s2], $0x3000  }
0x130: {  	s10 =	sshrl.u32 s6, $0x3;
	s5 =	sadd.s32 $0x1, s5;
	[sflag:s2] =	ssyncset.done $0x0  }
0x131: {  	s7 =	sshll.u32 s7, $0x6;
	p0 =	sne.s32 s5, s19;
	[sflag:s2] =	ssyncadd.s32 $0xFFFFD000  }
.Ltmp5:
0x132: {  	s7 =	sor.u32 $0x1C04, s7;
	[bflag:$0x0] =	sbarrier.arrive $0xFFFF;
	(pc) =	sbr.rel @p0 .LBB2_1-.Ltmp5, $4  }
0x133: {  	[hbm:s18], [sflag:s7] =	dma.local [spmem:s10], $0x2780  }
0x134: {  	_ =	swait.ge [sflag:s28], $0x2780  }
0x135: {  	[sflag:s28] =	ssyncset.done $0x0  }
0x136: {  	[sflag:s28] =	ssyncadd.s32 $0xFFFFD880  }
0x137: {  	_ =	sfence.sel $0x180000  }
0x138: {  	[bflag:$0x0] =	sbarrier.arrive $0xFFFF  }
0x139: {  	_ =	strace $0x90000047  }
0x13a: {  	s0 =	stileid.u32;
	[bflag:$0x2] =	sbarrier.arrive $0xFFFF  }
0x13b: {  	p0 =	sne.s32 s0, $0x0;
	s0 =	rddreg [dreg:$0x4]  }
0x13c: {  	s0 =	sadd.s32 @!p0 $0x100000, s0  }
0x13d: {  	[sflag:s0] =	ssyncadd.tile.s32 @!p0 $0x1;
	_ =	shalt  }
.Lfunc_end2:
_tile_overlayer_lowered:
.L_overlay_start_2:
0x13e: {  	(tag) =	ssettag $0x2  }
0x13f: {  	s0 =	rddreg [dreg:$0x0];
	s2 =	stileid.u32  }
0x140: {  	s1 =	rddreg [dreg:$0x1];
	p0 =	sne.s32 s2, $0x0  }
0x141: {  	s3 =	rddreg [dreg:$0x2];
	[bflag:$0x3] =	sbarrier.arrive $0xFFFF;
	s2 =	simm.s32 @!p0 $0x1C04  }
0x142: {  	[timem:s3], [sflag:s2] =	dma.local @!p0 [hbm:s0], s1  }
0x143: {  	s0 =	simm.s32 @!p0 $0x4  }
0x144: {  	_ =	swait.ge @!p0 [sflag:s0], s1  }
0x145: {  	s1 =	ssub.s32 @!p0 $0x0, s1;
	[sflag:s0] =	ssyncset.done @!p0 $0x0  }
0x146: {  	[sflag:s0] =	ssyncadd.s32 @!p0 s1  }
0x147: {  	[bflag:$0x3] =	sbarrier.arrive $0xFFFF  }
0x148: {  	_ =	shalt  }

</sc_bundles>
